<compile_context>
chip_gen: v7x
topology: tpu7x:2x2x1
jax: 0.10.2.dev20260603
libtpu: 0.0.44.dev20260713+nightly
codegen_flags: <defaults>
</compile_context>

<pallas_src>
import jax
import jax.numpy as jnp
from jax import lax
from jax.experimental import pallas as pl
from jax.experimental.pallas import tpu as pltpu
from jax.experimental.pallas import tpu_sc as plsc

E = 8
K = 2
ALPHA = 1.702
LIMIT = 7.0

BM = 256
NB = 24
PCAP = NB * BM
SENT = 1 << 20


def _router_body(x_ref, rw_ref, ti_ref, tw_ref):
    x = x_ref[...]
    logits = jnp.dot(x, rw_ref[...], preferred_element_type=jnp.float32)
    t, e = logits.shape
    eio = jax.lax.broadcasted_iota(jnp.int32, (t, e), 1)
    m1 = jnp.max(logits, axis=1, keepdims=True)
    i1 = jnp.min(jnp.where(logits == m1, eio, e), axis=1, keepdims=True)
    masked = jnp.where(eio == i1, -jnp.inf, logits)
    m2 = jnp.max(masked, axis=1, keepdims=True)
    i2 = jnp.min(jnp.where(masked == m2, eio, e), axis=1, keepdims=True)
    w1 = 1.0 / (1.0 + jnp.exp(m2 - m1))
    ti_ref[...] = jnp.concatenate([i1, i2], axis=1)
    tw_ref[...] = jnp.concatenate([w1, 1.0 - w1], axis=1)


def _router(x, router_w):
    t = x.shape[0]
    return pl.pallas_call(
        _router_body,
        out_shape=(
            jax.ShapeDtypeStruct((t, K), jnp.int32),
            jax.ShapeDtypeStruct((t, K), jnp.float32),
        ),
    )(x, router_w)


def _rank_body(ti_ref, pos_ref, be_ref, ba_ref):
    t = ti_ref.shape[0]
    eio = jax.lax.broadcasted_iota(jnp.int32, (t, E), 1)
    oh0 = (ti_ref[:, 0:1] == eio).astype(jnp.float32)
    oh1 = (ti_ref[:, 1:2] == eio).astype(jnp.float32)
    ohsum = oh0 + oh1
    r0 = jax.lax.broadcasted_iota(jnp.int32, (t, t), 0)
    r1 = jax.lax.broadcasted_iota(jnp.int32, (t, t), 1)
    ltri = (r0 > r1).astype(jnp.bfloat16)
    cum = jnp.dot(ltri, ohsum.astype(jnp.bfloat16),
                  preferred_element_type=jnp.float32)
    rank0 = jnp.sum(cum * oh0, axis=1, keepdims=True)
    rank1 = jnp.sum((cum + oh0) * oh1, axis=1, keepdims=True)
    counts = jnp.sum(ohsum, axis=0, keepdims=True)
    padded = jnp.ceil(counts / BM) * BM
    u0 = jax.lax.broadcasted_iota(jnp.int32, (E, E), 0)
    u1 = jax.lax.broadcasted_iota(jnp.int32, (E, E), 1)
    utri = (u0 < u1).astype(jnp.float32)
    spad = jnp.dot(padded, utri, preferred_element_type=jnp.float32)
    pos0 = jnp.sum(spad * oh0, axis=1, keepdims=True) + rank0
    pos1 = jnp.sum(spad * oh1, axis=1, keepdims=True) + rank1
    pos_ref[...] = jnp.concatenate([pos0, pos1], axis=1).astype(jnp.int32)
    ends = spad + padded
    total = jnp.sum(padded)
    bs = (jax.lax.broadcasted_iota(jnp.int32, (8, 128), 1) * BM
          ).astype(jnp.float32)
    ex = jnp.zeros((8, 128), jnp.int32)
    for j in range(E):
        endj = jnp.sum(ends * (jax.lax.broadcasted_iota(
            jnp.int32, (1, E), 1) == j).astype(jnp.float32))
        ex = ex + (bs >= endj).astype(jnp.int32)
    be_ref[...] = jnp.minimum(ex, E - 1)
    ba_ref[...] = (bs < total).astype(jnp.int32)


def _rank(topk_i):
    t = topk_i.shape[0]
    return pl.pallas_call(
        _rank_body,
        out_shape=(
            jax.ShapeDtypeStruct((t, K), jnp.int32),
            jax.ShapeDtypeStruct((8, 128), jnp.int32),
            jax.ShapeDtypeStruct((8, 128), jnp.int32),
        ),
    )(topk_i)


def _scatter_sc_body(pos_hbm, wf_hbm, rows_out, ws_out,
                     pos_v, w_v, rows_v, ws_v):
    wid = lax.axis_index("c") * 16 + lax.axis_index("s")
    tk = pos_v.shape[0]
    cap = rows_v.shape[0]

    @pl.when(wid == 0)
    def _():
        pltpu.sync_copy(pos_hbm, pos_v)
        pltpu.sync_copy(wf_hbm, w_v)

        def prefill(i, _):
            i16 = pl.multiple_of(i * 16, 16)
            rows_v[pl.ds(i16, 16)] = jnp.full((16,), SENT, jnp.int32)
            ws_v[pl.ds(i16, 16)] = jnp.zeros((16,), jnp.float32)
            return 0
        lax.fori_loop(0, cap // 16, prefill, 0)

        def scan(i, _):
            i16 = pl.multiple_of(i * 16, 16)
            pv = pos_v[pl.ds(i16, 16)]
            wv = w_v[pl.ds(i16, 16)]
            halves = lax.iota(jnp.int32, 16) // K
            tvec = jnp.full((16,), i * (16 // K), jnp.int32) + halves
            plsc.store_scatter(rows_v, [pv], tvec)
            plsc.store_scatter(ws_v, [pv], wv)
            return 0
        lax.fori_loop(0, tk // 16, scan, 0)

        def copyout(ch, _):
            sl = pl.ds(pl.multiple_of(ch * BM, BM), BM)
            pltpu.sync_copy(rows_v.at[sl], rows_out.at[sl])
            pltpu.sync_copy(ws_v.at[sl], ws_out.at[sl])
            return 0
        lax.fori_loop(0, cap // BM, copyout, 0)


def _scatter_sc(pos_flat, wf_flat):
    tk = pos_flat.shape[0]
    fn = pl.kernel(
        _scatter_sc_body,
        compiler_params=pltpu.CompilerParams(needs_layout_passes=False),
        out_type=(
            jax.ShapeDtypeStruct((PCAP,), jnp.int32),
            jax.ShapeDtypeStruct((PCAP,), jnp.float32),
        ),
        mesh=plsc.VectorSubcoreMesh(core_axis_name="c", subcore_axis_name="s"),
        scratch_types=[
            pltpu.VMEM((tk,), jnp.int32),
            pltpu.VMEM((tk,), jnp.float32),
            pltpu.VMEM((PCAP,), jnp.int32),
            pltpu.VMEM((PCAP,), jnp.float32),
        ],
    )
    return fn(pos_flat, wf_flat)


def _mlp1_body(be_ref, ba_ref, x_ref, ids_ref, w_ref, act_ref, xs_s):
    m = pl.program_id(0)
    f = pl.program_id(1)

    @pl.when((ba_ref[m] == 1) & (f == 0))
    def _():
        t = x_ref.shape[0]
        ids = ids_ref[0]
        tio = jax.lax.broadcasted_iota(jnp.int32, (ids.shape[0], t), 1)
        p = (ids == tio).astype(jnp.bfloat16)
        xs_s[...] = jnp.dot(p, x_ref[...],
                            preferred_element_type=jnp.float32
                            ).astype(jnp.bfloat16)

    @pl.when(ba_ref[m] == 1)
    def _():
        w = w_ref[0].astype(jnp.bfloat16)
        gu = jnp.dot(xs_s[...], w, preferred_element_type=jnp.float32)
        gate = jnp.minimum(gu, LIMIT)
        up = jnp.clip(jnp.roll(gu, -1, axis=1), -LIMIT, LIMIT)
        glu = gate / (1.0 + jnp.exp(-ALPHA * gate))
        act_i = (up + 1.0) * glu
        n2 = gu.shape[1]
        sel = (jax.lax.broadcasted_iota(jnp.int32, (n2, n2 // 2), 0)
               == 2 * jax.lax.broadcasted_iota(jnp.int32, (n2, n2 // 2), 1)
               ).astype(jnp.bfloat16)
        act_ref[...] = jnp.dot(act_i.astype(jnp.bfloat16), sel,
                               preferred_element_type=jnp.float32
                               ).astype(jnp.bfloat16)

    @pl.when(ba_ref[m] == 0)
    def _():
        act_ref[...] = jnp.zeros_like(act_ref)


def _mlp1(x_bf, row_ids_2d, gate_up, block_expert, block_active):
    t, h = x_bf.shape
    f2 = gate_up.shape[2]
    f = f2 // 2
    fb = 512
    nf = f // fb
    grid = (NB, nf)
    return pl.pallas_call(
        _mlp1_body,
        grid_spec=pltpu.PrefetchScalarGridSpec(
            num_scalar_prefetch=2,
            grid=grid,
            in_specs=[
                pl.BlockSpec((t, h), lambda m, fi, be, ba: (0, 0)),
                pl.BlockSpec((1, BM, 1), lambda m, fi, be, ba: (m, 0, 0)),
                pl.BlockSpec((1, h, 2 * fb),
                             lambda m, fi, be, ba: (be[m], 0, fi)),
            ],
            out_specs=pl.BlockSpec((BM, fb), lambda m, fi, be, ba: (m, fi)),
            scratch_shapes=[pltpu.VMEM((BM, h), jnp.bfloat16)],
        ),
        out_shape=jax.ShapeDtypeStruct((PCAP, f), jnp.bfloat16),
    )(block_expert, block_active, x_bf, row_ids_2d, gate_up)


def _mlp2_body(be_ref, ba_ref, a_ref, w_ref, y_ref):
    m = pl.program_id(0)

    @pl.when(ba_ref[m] == 1)
    def _():
        y_ref[...] = jnp.dot(a_ref[...], w_ref[0].astype(jnp.bfloat16),
                             preferred_element_type=jnp.float32)

    @pl.when(ba_ref[m] == 0)
    def _():
        y_ref[...] = jnp.zeros_like(y_ref)


def _mlp2(act, down, block_expert, block_active):
    f = act.shape[1]
    h = down.shape[2]
    hb = 1024
    nh = h // hb
    grid = (NB, nh)
    return pl.pallas_call(
        _mlp2_body,
        grid_spec=pltpu.PrefetchScalarGridSpec(
            num_scalar_prefetch=2,
            grid=grid,
            in_specs=[
                pl.BlockSpec((BM, f), lambda m, hi, be, ba: (m, 0)),
                pl.BlockSpec((1, f, hb),
                             lambda m, hi, be, ba: (be[m], 0, hi)),
            ],
            out_specs=pl.BlockSpec((BM, hb), lambda m, hi, be, ba: (m, hi)),
        ),
        out_shape=jax.ShapeDtypeStruct((PCAP, h), jnp.float32),
    )(block_expert, block_active, act, down)


def _combine_body(ids_ref, w_ref, y_ref, out_ref):
    tb = pl.program_id(0)
    rb = pl.program_id(1)

    @pl.when(rb == 0)
    def _():
        out_ref[...] = jnp.zeros_like(out_ref)

    ids = ids_ref[0, 0, :]
    w = w_ref[0, 0, :]
    tio = jax.lax.broadcasted_iota(jnp.int32, (BM, BM), 0) + tb * BM
    q = jnp.where(ids[None, :] == tio, w[None, :], 0.0).astype(jnp.bfloat16)
    out_ref[...] += jnp.dot(q, y_ref[...].astype(jnp.bfloat16),
                            preferred_element_type=jnp.float32)


def _combine(row_ids, w_sorted, y, t):
    h = y.shape[1]
    nt = t // BM
    grid = (nt, NB)
    return pl.pallas_call(
        _combine_body,
        grid=grid,
        in_specs=[
            pl.BlockSpec((1, 1, BM), lambda ti, ri: (ri, 0, 0)),
            pl.BlockSpec((1, 1, BM), lambda ti, ri: (ri, 0, 0)),
            pl.BlockSpec((BM, h), lambda ti, ri: (ri, 0)),
        ],
        out_specs=pl.BlockSpec((BM, h), lambda ti, ri: (ti, 0)),
        out_shape=jax.ShapeDtypeStruct((t, h), jnp.float32),
    )(row_ids.reshape(NB, 1, BM), w_sorted.reshape(NB, 1, BM), y)


def kernel(hidden_states, router_w, gate_up_proj, down_proj):
    b, s, h = hidden_states.shape
    t = b * s
    x = hidden_states.reshape(t, h)
    topk_i, topk_w = _router(x, router_w)
    pos, be_tbl, ba_tbl = _rank(topk_i)
    row_ids, w_sorted = _scatter_sc(pos.reshape(-1), topk_w.reshape(-1))
    be = be_tbl.reshape(-1)[:32]
    ba = ba_tbl.reshape(-1)[:32]
    act = _mlp1(x.astype(jnp.bfloat16), row_ids.reshape(NB, BM, 1),
                gate_up_proj, be, ba)
    y = _mlp2(act, down_proj, be, ba)
    out = _combine(row_ids, w_sorted, y, t)
    return out.reshape(b, s, h)

# --- scband reference (transcript-rebuilt; emitter-appended) ---
"""Pipeline reference for scband-a2a-sparse-mlp-34918084116586 (READ-ONLY COPY).

The authoritative reference and input builder live on the scoring server;
editing this copy changes nothing except your own understanding.
"""

import jax, jax.numpy as jnp
import numpy as np

E = 8
K = 2
H = 2048
F = 1024
ALPHA = 1.702
LIMIT = 7.0


def setup_inputs(seed: int = 0) -> dict:
    key = jax.random.key(seed)
    k1, k2, k3, k4 = jax.random.split(key, 4)
    hidden_states = jax.random.normal(k1, (1, 2048, H), dtype=jnp.float32)
    router_w = jax.random.normal(k2, (H, E), dtype=jnp.float32) * 0.02
    # fused gate+up projection per expert, interleaved layout [g0,u0,g1,u1,...]
    gate_up_proj = jax.random.normal(k3, (E, H, 2 * F), dtype=jnp.float32) * 0.02
    down_proj = jax.random.normal(k4, (E, F, H), dtype=jnp.float32) * 0.02
    return {
        "hidden_states": hidden_states,
        "router_w": router_w,
        "gate_up_proj": gate_up_proj,
        "down_proj": down_proj,
    }


def reference(hidden_states, router_w, gate_up_proj, down_proj):
    # Single-device path: all_to_all_dispatch/combine are no-ops (num_devices=1),
    # so this is equivalent to the SparseMLP expert computation.
    B, S, Hh = hidden_states.shape
    x = hidden_states.reshape(-1, Hh)  # [T, H]
    # Router: plain 2D logits path -> topk -> softmax over topk weights
    logits = x @ router_w  # [T, E]
    topk_w, topk_i = jax.lax.top_k(logits, K)  # [T, K]
    topk_w = jax.nn.softmax(topk_w, axis=-1)
    # _topk_to_sparse_scores: one_hot + einsum (XLA-friendly scatter)
    one_hot = (topk_i[..., None] == jnp.arange(E)).astype(topk_w.dtype)  # [T, K, E]
    scores = jnp.einsum('tk,tke->te', topk_w, one_hot)  # [T, E]
    # Expert computation (dense-over-experts, masked by sparse scores)
    gu = jnp.einsum('th,ehf->tef', x, gate_up_proj)  # [T, E, 2F]
    # gpt_oss activation, interleaved gate/up
    gate = gu[..., ::2]
    up = gu[..., 1::2]
    gate = jnp.minimum(gate, LIMIT)
    up = jnp.clip(up, -LIMIT, LIMIT)
    glu = gate * jax.nn.sigmoid(gate * ALPHA)
    act = (up + 1.0) * glu  # [T, E, F]
    y = jnp.einsum('tef,efh->teh', act, down_proj)  # [T, E, H]
    out = jnp.einsum('teh,te->th', y, scores).reshape(B, S, Hh)
    return out

if __name__ == "__main__":
    import jax
    _d = setup_inputs()
    print(jax.jit(kernel)(*tuple(_d.values())))

</pallas_src>

<mosaic_0001>
#map = affine_map<(d0, d1) -> (0)>
module attributes {stable_mosaic.version = 14 : i64} {
  func.func @_scatter_sc_body(%arg0: i32, %arg1: i32, %arg2: memref<4096xi32, #tpu.memory_space<hbm>>, %arg3: memref<4096xf32, #tpu.memory_space<hbm>>, %arg4: memref<6144xi32, #tpu.memory_space<hbm>>, %arg5: memref<6144xf32, #tpu.memory_space<hbm>>, %arg6: memref<4096xi32, #tpu.memory_space<vmem>>, %arg7: memref<4096xf32, #tpu.memory_space<vmem>>, %arg8: memref<6144xi32, #tpu.memory_space<vmem>>, %arg9: memref<6144xf32, #tpu.memory_space<vmem>>) attributes {dimension_semantics = [#tpu.dimension_semantics<core_parallel>, #tpu.dimension_semantics<subcore_parallel>], iteration_bounds = array<i64: 2, 16>, scalar_prefetch = 0 : i64, scratch_operands = 4 : i64, tpu.core_type = #tpu.core_type<sc_vector_subcore>, window_params = [{transform_indices = #map}, {transform_indices = #map}, {transform_indices = #map}, {transform_indices = #map}]} {
    %mul3A = arith.constant 16 : i32
    %mul3A_0 = arith.muli %arg0, %mul3A : i32
    %add3A = arith.addi %mul3A_0, %arg1 : i32
    %eq3A = arith.constant 0 : i32
    %eq3A_1 = arith.cmpi eq, %add3A, %eq3A : i32
    %convert_element_type3A = arith.extui %eq3A_1 : i1 to i32
    %cond3A = arith.constant 0 : i32
    %cond3A_2 = arith.cmpi ne, %convert_element_type3A, %cond3A : i32
    scf.if %cond3A_2 {
      "tpu.region"() ({
        %run_scoped3A = tpu.sem_alloc : memref<!tpu.dma_semaphore, #tpu.memory_space<semaphore_mem>>
        tpu.enqueue_dma source(%arg2 : memref<4096xi32, #tpu.memory_space<hbm>>) target(%arg6 : memref<4096xi32, #tpu.memory_space<vmem>>) target_semaphore(%run_scoped3A : memref<!tpu.dma_semaphore, #tpu.memory_space<semaphore_mem>>)
        tpu.wait_dma2 semaphore(%run_scoped3A : memref<!tpu.dma_semaphore, #tpu.memory_space<semaphore_mem>>) src(%arg2 : memref<4096xi32, #tpu.memory_space<hbm>>) dst(%arg6 : memref<4096xi32, #tpu.memory_space<vmem>>)
        tpu.yield
      }) : () -> ()
      "tpu.region"() ({
        %run_scoped3A = tpu.sem_alloc : memref<!tpu.dma_semaphore, #tpu.memory_space<semaphore_mem>>
        tpu.enqueue_dma source(%arg3 : memref<4096xf32, #tpu.memory_space<hbm>>) target(%arg7 : memref<4096xf32, #tpu.memory_space<vmem>>) target_semaphore(%run_scoped3A : memref<!tpu.dma_semaphore, #tpu.memory_space<semaphore_mem>>)
        tpu.wait_dma2 semaphore(%run_scoped3A : memref<!tpu.dma_semaphore, #tpu.memory_space<semaphore_mem>>) src(%arg3 : memref<4096xf32, #tpu.memory_space<hbm>>) dst(%arg7 : memref<4096xf32, #tpu.memory_space<vmem>>)
        tpu.yield
      }) : () -> ()
      %scan3A = arith.constant 0 : i32
      %scan3A_3 = arith.constant 0 : i32
      %scan3A_4 = arith.constant 384 : i32
      %scan3A_5 = arith.addi %scan3A_3, %scan3A_4 : i32
      %scan3A_6 = arith.constant 1 : i32
      %scan3A_7 = scf.for %scan3A_23 = %scan3A_3 to %scan3A_5 step %scan3A_6 iter_args(%scan3A_24 = %scan3A) -> (i32)  : i32 {
        %mul3A_25 = arith.constant 16 : i32
        %mul3A_26 = arith.muli %scan3A_23, %mul3A_25 : i32
        %multiple_of3A = tpu.assume_multiple %mul3A_26, 16 : i32
        %broadcast_in_dim3A = arith.constant 1048576 : i32
        %broadcast_in_dim3A_27 = vector.broadcast %broadcast_in_dim3A : i32 to vector<16xi32>
        %swap3A = arith.index_cast %multiple_of3A : i32 to index
        %swap3A_28 = tpu.vector_load %arg8[%swap3A] {strides = array<i32>} : memref<6144xi32, #tpu.memory_space<vmem>>, vector<16xi32>,
        tpu.vector_store %arg8[%swap3A], %broadcast_in_dim3A_27 {strides = array<i32>} : memref<6144xi32, #tpu.memory_space<vmem>>, vector<16xi32>,
        %broadcast_in_dim3A_29 = arith.constant 0.000000e+00 : f32
        %broadcast_in_dim3A_30 = vector.broadcast %broadcast_in_dim3A_29 : f32 to vector<16xf32>
        %swap3A_31 = arith.index_cast %multiple_of3A : i32 to index
        %swap3A_32 = tpu.vector_load %arg9[%swap3A_31] {strides = array<i32>} : memref<6144xf32, #tpu.memory_space<vmem>>, vector<16xf32>,
        tpu.vector_store %arg9[%swap3A_31], %broadcast_in_dim3A_30 {strides = array<i32>} : memref<6144xf32, #tpu.memory_space<vmem>>, vector<16xf32>,
        %scan3A_33 = arith.constant 0 : i32
        scf.yield %scan3A_33 : i32
      }
      %scan3A_8 = arith.constant 384 : i32
      %scan3A_9 = arith.constant 0 : i32
      %scan3A_10 = arith.constant 0 : i32
      %scan3A_11 = arith.constant 256 : i32
      %scan3A_12 = arith.addi %scan3A_10, %scan3A_11 : i32
      %scan3A_13 = arith.constant 1 : i32
      %scan3A_14 = scf.for %scan3A_23 = %scan3A_10 to %scan3A_12 step %scan3A_13 iter_args(%scan3A_24 = %scan3A_9) -> (i32)  : i32 {
        %mul3A_25 = arith.constant 16 : i32
        %mul3A_26 = arith.muli %scan3A_23, %mul3A_25 : i32
        %multiple_of3A = tpu.assume_multiple %mul3A_26, 16 : i32
        %get3A = arith.index_cast %multiple_of3A : i32 to index
        %get3A_27 = tpu.vector_load %arg6[%get3A] {strides = array<i32>} : memref<4096xi32, #tpu.memory_space<vmem>>, vector<16xi32>,
        %get3A_28 = arith.index_cast %multiple_of3A : i32 to index
        %get3A_29 = tpu.vector_load %arg7[%get3A_28] {strides = array<i32>} : memref<4096xf32, #tpu.memory_space<vmem>>, vector<16xf32>,
        %iota3A = tpu.iota {dimensions = array<i32: 0>} : vector<16xi32>
        %jit3A = arith.constant 2 : i32
        %div3A = vector.broadcast %jit3A : i32 to vector<16xi32>
        %div3A_30 = arith.divsi %iota3A, %div3A : vector<16xi32>
        %sign3A = arith.constant 0 : i32
        %sign3A_31 = vector.broadcast %sign3A : i32 to vector<16xi32>
        %sign3A_32 = arith.cmpi sgt, %iota3A, %sign3A_31 : vector<16xi32>
        %sign3A_33 = arith.extui %sign3A_32 : vector<16xi1> to vector<16xi32>
        %sign3A_34 = arith.constant 0 : i32
        %sign3A_35 = vector.broadcast %sign3A_34 : i32 to vector<16xi32>
        %sign3A_36 = arith.cmpi slt, %iota3A, %sign3A_35 : vector<16xi32>
        %sign3A_37 = arith.extui %sign3A_36 : vector<16xi1> to vector<16xi32>
        %sign3A_38 = arith.subi %sign3A_33, %sign3A_37 : vector<16xi32>
        %sign3A_39 = arith.constant 0 : i32
        %sign3A_40 = arith.cmpi sgt, %jit3A, %sign3A_39 : i32
        %sign3A_41 = arith.extui %sign3A_40 : i1 to i32
        %sign3A_42 = arith.constant 0 : i32
        %sign3A_43 = arith.cmpi slt, %jit3A, %sign3A_42 : i32
        %sign3A_44 = arith.extui %sign3A_43 : i1 to i32
        %sign3A_45 = arith.subi %sign3A_41, %sign3A_44 : i32
        %ne3A = vector.broadcast %sign3A_45 : i32 to vector<16xi32>
        %ne3A_46 = arith.cmpi ne, %sign3A_38, %ne3A : vector<16xi32>
        %rem3A = vector.broadcast %jit3A : i32 to vector<16xi32>
        %rem3A_47 = arith.remsi %iota3A, %rem3A : vector<16xi32>
        %ne3A_48 = arith.constant 0 : i32
        %ne3A_49 = vector.broadcast %ne3A_48 : i32 to vector<16xi32>
        %ne3A_50 = arith.cmpi ne, %rem3A_47, %ne3A_49 : vector<16xi32>
        %and3A = arith.andi %ne3A_46, %ne3A_50 : vector<16xi1>
        %sub3A = arith.constant 1 : i32
        %sub3A_51 = vector.broadcast %sub3A : i32 to vector<16xi32>
        %sub3A_52 = arith.subi %div3A_30, %sub3A_51 : vector<16xi32>
        %select_n3A = arith.select %and3A, %sub3A_52, %div3A_30 : vector<16xi1>, vector<16xi32>
        %mul3A_53 = arith.constant 8 : i32
        %mul3A_54 = arith.muli %scan3A_23, %mul3A_53 : i32
        %broadcast_in_dim3A = vector.broadcast %mul3A_54 : i32 to vector<16xi32>
        %add3A_55 = arith.addi %broadcast_in_dim3A, %select_n3A : vector<16xi32>
        tpu.vector_store_idx %arg8[%get3A_27], %add3A_55 : memref<6144xi32, #tpu.memory_space<vmem>>[vector<16xi32>], vector<16xi32>,
        tpu.vector_store_idx %arg9[%get3A_27], %get3A_29 : memref<6144xf32, #tpu.memory_space<vmem>>[vector<16xi32>], vector<16xf32>,
        %scan3A_56 = arith.constant 0 : i32
        scf.yield %scan3A_56 : i32
      }
      %scan3A_15 = arith.constant 256 : i32
      %scan3A_16 = arith.constant 0 : i32
      %scan3A_17 = arith.constant 0 : i32
      %scan3A_18 = arith.constant 24 : i32
      %scan3A_19 = arith.addi %scan3A_17, %scan3A_18 : i32
      %scan3A_20 = arith.constant 1 : i32
      %scan3A_21 = scf.for %scan3A_23 = %scan3A_17 to %scan3A_19 step %scan3A_20 iter_args(%scan3A_24 = %scan3A_16) -> (i32)  : i32 {
        %mul3A_25 = arith.constant 256 : i32
        %mul3A_26 = arith.muli %scan3A_23, %mul3A_25 : i32
        %multiple_of3A = tpu.assume_multiple %mul3A_26, 256 : i32
        "tpu.region"() ({
          %run_scoped3A = tpu.sem_alloc : memref<!tpu.dma_semaphore, #tpu.memory_space<semaphore_mem>>
          %dma_start3A = tpu.memref_slice %arg8[%multiple_of3A] : memref<6144xi32, #tpu.memory_space<vmem>> -> memref<256xi32, #tpu.memory_space<vmem>>
          %dma_start3A_28 = tpu.memref_slice %arg4[%multiple_of3A] : memref<6144xi32, #tpu.memory_space<hbm>> -> memref<256xi32, #tpu.memory_space<hbm>>
          %dma_start3A_29 = tpu.memref_slice %arg4[%multiple_of3A] : memref<6144xi32, #tpu.memory_space<hbm>> -> memref<256xi32, #tpu.memory_space<hbm>>
          %dma_start3A_30 = tpu.memref_slice %arg8[%multiple_of3A] : memref<6144xi32, #tpu.memory_space<vmem>> -> memref<256xi32, #tpu.memory_space<vmem>>
          tpu.enqueue_dma source(%dma_start3A_30 : memref<256xi32, #tpu.memory_space<vmem>>) target(%dma_start3A_29 : memref<256xi32, #tpu.memory_space<hbm>>) target_semaphore(%run_scoped3A : memref<!tpu.dma_semaphore, #tpu.memory_space<semaphore_mem>>)
          %dma_wait3A = tpu.memref_slice %arg8[%multiple_of3A] : memref<6144xi32, #tpu.memory_space<vmem>> -> memref<256xi32, #tpu.memory_space<vmem>>
          %dma_wait3A_31 = tpu.memref_slice %arg4[%multiple_of3A] : memref<6144xi32, #tpu.memory_space<hbm>> -> memref<256xi32, #tpu.memory_space<hbm>>
          %dma_wait3A_32 = tpu.memref_slice %arg4[%multiple_of3A] : memref<6144xi32, #tpu.memory_space<hbm>> -> memref<256xi32, #tpu.memory_space<hbm>>
          %dma_wait3A_33 = tpu.memref_slice %arg8[%multiple_of3A] : memref<6144xi32, #tpu.memory_space<vmem>> -> memref<256xi32, #tpu.memory_space<vmem>>
          tpu.wait_dma2 semaphore(%run_scoped3A : memref<!tpu.dma_semaphore, #tpu.memory_space<semaphore_mem>>) src(%dma_wait3A_33 : memref<256xi32, #tpu.memory_space<vmem>>) dst(%dma_wait3A_32 : memref<256xi32, #tpu.memory_space<hbm>>)
          tpu.yield
        }) : () -> ()
        "tpu.region"() ({
          %run_scoped3A = tpu.sem_alloc : memref<!tpu.dma_semaphore, #tpu.memory_space<semaphore_mem>>
          %dma_start3A = tpu.memref_slice %arg9[%multiple_of3A] : memref<6144xf32, #tpu.memory_space<vmem>> -> memref<256xf32, #tpu.memory_space<vmem>>
          %dma_start3A_28 = tpu.memref_slice %arg5[%multiple_of3A] : memref<6144xf32, #tpu.memory_space<hbm>> -> memref<256xf32, #tpu.memory_space<hbm>>
          %dma_start3A_29 = tpu.memref_slice %arg5[%multiple_of3A] : memref<6144xf32, #tpu.memory_space<hbm>> -> memref<256xf32, #tpu.memory_space<hbm>>
          %dma_start3A_30 = tpu.memref_slice %arg9[%multiple_of3A] : memref<6144xf32, #tpu.memory_space<vmem>> -> memref<256xf32, #tpu.memory_space<vmem>>
          tpu.enqueue_dma source(%dma_start3A_30 : memref<256xf32, #tpu.memory_space<vmem>>) target(%dma_start3A_29 : memref<256xf32, #tpu.memory_space<hbm>>) target_semaphore(%run_scoped3A : memref<!tpu.dma_semaphore, #tpu.memory_space<semaphore_mem>>)
          %dma_wait3A = tpu.memref_slice %arg9[%multiple_of3A] : memref<6144xf32, #tpu.memory_space<vmem>> -> memref<256xf32, #tpu.memory_space<vmem>>
          %dma_wait3A_31 = tpu.memref_slice %arg5[%multiple_of3A] : memref<6144xf32, #tpu.memory_space<hbm>> -> memref<256xf32, #tpu.memory_space<hbm>>
          %dma_wait3A_32 = tpu.memref_slice %arg5[%multiple_of3A] : memref<6144xf32, #tpu.memory_space<hbm>> -> memref<256xf32, #tpu.memory_space<hbm>>
          %dma_wait3A_33 = tpu.memref_slice %arg9[%multiple_of3A] : memref<6144xf32, #tpu.memory_space<vmem>> -> memref<256xf32, #tpu.memory_space<vmem>>
          tpu.wait_dma2 semaphore(%run_scoped3A : memref<!tpu.dma_semaphore, #tpu.memory_space<semaphore_mem>>) src(%dma_wait3A_33 : memref<256xf32, #tpu.memory_space<vmem>>) dst(%dma_wait3A_32 : memref<256xf32, #tpu.memory_space<hbm>>)
          tpu.yield
        }) : () -> ()
        %scan3A_27 = arith.constant 0 : i32
        scf.yield %scan3A_27 : i32
      }
      %scan3A_22 = arith.constant 24 : i32
    } else {
    }
    return
  }
}

module attributes {stable_mosaic.version = 14 : i64} {
  func.func @_rank_body(%arg0: memref<2048x2xi32, #tpu.memory_space<vmem>>, %arg1: memref<2048x2xi32, #tpu.memory_space<vmem>>, %arg2: memref<8x128xi32, #tpu.memory_space<vmem>>, %arg3: memref<8x128xi32, #tpu.memory_space<vmem>>) attributes {dimension_semantics = [], scalar_prefetch = 0 : i64, scratch_operands = 0 : i64, tpu.core_type = #tpu.core_type<tc>} {
    %iota3A = tpu.iota {dimensions = array<i32: 1>} : vector<2048x8xi32>
    %get3A = arith.constant 0 : index
    %get3A_0 = arith.constant 0 : index
    %get3A_1 = vector.load %arg0[%get3A, %get3A_0] : memref<2048x2xi32, #tpu.memory_space<vmem>>, vector<2048x1xi32>
    %eq3A = vector.broadcast %get3A_1 : vector<2048x1xi32> to vector<2048x8xi32>
    %eq3A_2 = arith.cmpi eq, %eq3A, %iota3A : vector<2048x8xi32>
    %convert_element_type3A = arith.extui %eq3A_2 : vector<2048x8xi1> to vector<2048x8xi32>
    %convert_element_type3A_3 = arith.sitofp %convert_element_type3A : vector<2048x8xi32> to vector<2048x8xf32>
    %get3A_4 = arith.constant 0 : index
    %get3A_5 = arith.constant 1 : index
    %get3A_6 = vector.load %arg0[%get3A_4, %get3A_5] : memref<2048x2xi32, #tpu.memory_space<vmem>>, vector<2048x1xi32>
    %eq3A_7 = vector.broadcast %get3A_6 : vector<2048x1xi32> to vector<2048x8xi32>
    %eq3A_8 = arith.cmpi eq, %eq3A_7, %iota3A : vector<2048x8xi32>
    %convert_element_type3A_9 = arith.extui %eq3A_8 : vector<2048x8xi1> to vector<2048x8xi32>
    %convert_element_type3A_10 = arith.sitofp %convert_element_type3A_9 : vector<2048x8xi32> to vector<2048x8xf32>
    %add3A = arith.addf %convert_element_type3A_3, %convert_element_type3A_10 : vector<2048x8xf32>
    %iota3A_11 = tpu.iota {dimensions = array<i32: 0>} : vector<2048x2048xi32>
    %iota3A_12 = tpu.iota {dimensions = array<i32: 1>} : vector<2048x2048xi32>
    %gt3A = arith.cmpi sgt, %iota3A_11, %iota3A_12 : vector<2048x2048xi32>
    %convert_element_type3A_13 = arith.extui %gt3A : vector<2048x2048xi1> to vector<2048x2048xi32>
    %convert_element_type3A_14 = arith.sitofp %convert_element_type3A_13 : vector<2048x2048xi32> to vector<2048x2048xf32>
    %convert_element_type3A_15 = arith.truncf %convert_element_type3A_14 : vector<2048x2048xf32> to vector<2048x2048xbf16>
    %convert_element_type3A_16 = arith.truncf %add3A : vector<2048x8xf32> to vector<2048x8xbf16>
    %dot_general3A = arith.constant dense<0.000000e+00> : vector<2048x8xf32>
    %dot_general3A_17 = tpu.matmul %convert_element_type3A_15, %convert_element_type3A_16, %dot_general3A {dimension_numbers = #tpu.dot_dimension_numbers<[1], [0], [0], [1], [0, 0, 1, 1], [], []>, transpose_lhs_hint = false} : vector<2048x2048xbf16>, vector<2048x8xbf16>, vector<2048x8xf32> -> vector<2048x8xf32>
    %mul3A = arith.mulf %dot_general3A_17, %convert_element_type3A_3 : vector<2048x8xf32>
    %reduce_sum3A = arith.constant dense<0.000000e+00> : vector<2048xf32>
    %reduce_sum3A_18 = vector.multi_reduction <add>, %mul3A, %reduce_sum3A [1] : vector<2048x8xf32> to vector<2048xf32>
    %broadcast_in_dim3A = vector.shape_cast %reduce_sum3A_18 : vector<2048xf32> to vector<2048x1xf32>
    %add3A_19 = arith.addf %dot_general3A_17, %convert_element_type3A_3 : vector<2048x8xf32>
    %mul3A_20 = arith.mulf %add3A_19, %convert_element_type3A_10 : vector<2048x8xf32>
    %reduce_sum3A_21 = arith.constant dense<0.000000e+00> : vector<2048xf32>
    %reduce_sum3A_22 = vector.multi_reduction <add>, %mul3A_20, %reduce_sum3A_21 [1] : vector<2048x8xf32> to vector<2048xf32>
    %broadcast_in_dim3A_23 = vector.shape_cast %reduce_sum3A_22 : vector<2048xf32> to vector<2048x1xf32>
    %reduce_sum3A_24 = arith.constant dense<0.000000e+00> : vector<8xf32>
    %reduce_sum3A_25 = vector.multi_reduction <add>, %add3A, %reduce_sum3A_24 [0] : vector<2048x8xf32> to vector<8xf32>
    %broadcast_in_dim3A_26 = vector.shape_cast %reduce_sum3A_25 : vector<8xf32> to vector<1x8xf32>
    %div3A = arith.constant 2.560000e+02 : f32
    %div3A_27 = vector.broadcast %div3A : f32 to vector<1x8xf32>
    %div3A_28 = arith.divf %broadcast_in_dim3A_26, %div3A_27 : vector<1x8xf32>
    %ceil3A = math.ceil %div3A_28 : vector<1x8xf32>
    %mul3A_29 = arith.constant 2.560000e+02 : f32
    %mul3A_30 = vector.broadcast %mul3A_29 : f32 to vector<1x8xf32>
    %mul3A_31 = arith.mulf %ceil3A, %mul3A_30 : vector<1x8xf32>
    %iota3A_32 = tpu.iota {dimensions = array<i32: 0>} : vector<8x8xi32>
    %iota3A_33 = tpu.iota {dimensions = array<i32: 1>} : vector<8x8xi32>
    %lt3A = arith.cmpi slt, %iota3A_32, %iota3A_33 : vector<8x8xi32>
    %convert_element_type3A_34 = arith.extui %lt3A : vector<8x8xi1> to vector<8x8xi32>
    %convert_element_type3A_35 = arith.sitofp %convert_element_type3A_34 : vector<8x8xi32> to vector<8x8xf32>
    %dot_general3A_36 = arith.constant dense<0.000000e+00> : vector<1x8xf32>
    %dot_general3A_37 = tpu.matmul %mul3A_31, %convert_element_type3A_35, %dot_general3A_36 {dimension_numbers = #tpu.dot_dimension_numbers<[1], [0], [0], [1], [0, 0, 1, 1], [], []>, transpose_lhs_hint = false} : vector<1x8xf32>, vector<8x8xf32>, vector<1x8xf32> -> vector<1x8xf32>
    %mul3A_38 = vector.broadcast %dot_general3A_37 : vector<1x8xf32> to vector<2048x8xf32>
    %mul3A_39 = arith.mulf %mul3A_38, %convert_element_type3A_3 : vector<2048x8xf32>
    %reduce_sum3A_40 = arith.constant dense<0.000000e+00> : vector<2048xf32>
    %reduce_sum3A_41 = vector.multi_reduction <add>, %mul3A_39, %reduce_sum3A_40 [1] : vector<2048x8xf32> to vector<2048xf32>
    %broadcast_in_dim3A_42 = vector.shape_cast %reduce_sum3A_41 : vector<2048xf32> to vector<2048x1xf32>
    %add3A_43 = arith.addf %broadcast_in_dim3A_42, %broadcast_in_dim3A : vector<2048x1xf32>
    %mul3A_44 = vector.broadcast %dot_general3A_37 : vector<1x8xf32> to vector<2048x8xf32>
    %mul3A_45 = arith.mulf %mul3A_44, %convert_element_type3A_10 : vector<2048x8xf32>
    %reduce_sum3A_46 = arith.constant dense<0.000000e+00> : vector<2048xf32>
    %reduce_sum3A_47 = vector.multi_reduction <add>, %mul3A_45, %reduce_sum3A_46 [1] : vector<2048x8xf32> to vector<2048xf32>
    %broadcast_in_dim3A_48 = vector.shape_cast %reduce_sum3A_47 : vector<2048xf32> to vector<2048x1xf32>
    %add3A_49 = arith.addf %broadcast_in_dim3A_48, %broadcast_in_dim3A_23 : vector<2048x1xf32>
    %concatenate3A = tpu.concatenate %add3A_43, %add3A_49 in 1 : vector<2048x1xf32>, vector<2048x1xf32> -> vector<2048x2xf32>
    %convert_element_type3A_50 = arith.fptosi %concatenate3A : vector<2048x2xf32> to vector<2048x2xi32>
    %swap3A = arith.constant 0 : index
    %swap3A_51 = arith.constant 0 : index
    %swap3A_52 = vector.load %arg1[%swap3A, %swap3A_51] : memref<2048x2xi32, #tpu.memory_space<vmem>>, vector<2048x2xi32>
    tpu.vector_store %arg1[%swap3A, %swap3A_51], %convert_element_type3A_50 {strides = array<i32>} : memref<2048x2xi32, #tpu.memory_space<vmem>>, vector<2048x2xi32>,
    %add3A_53 = arith.addf %dot_general3A_37, %mul3A_31 : vector<1x8xf32>
    %reduce_sum3A_54 = vector.shape_cast %mul3A_31 : vector<1x8xf32> to vector<1x1x8xf32>
    %reduce_sum3A_55 = arith.constant dense<0.000000e+00> : vector<1xf32>
    %reduce_sum3A_56 = vector.multi_reduction <add>, %reduce_sum3A_54, %reduce_sum3A_55 [1, 2] : vector<1x1x8xf32> to vector<1xf32>
    %reduce_sum3A_57 = vector.shape_cast %reduce_sum3A_56 : vector<1xf32> to vector<1x1x1xf32>
    %reduce_sum3A_58 = vector.extract %reduce_sum3A_57[0, 0, 0] : f32 from vector<1x1x1xf32>
    %iota3A_59 = tpu.iota {dimensions = array<i32: 1>} : vector<8x128xi32>
    %mul3A_60 = arith.constant 256 : i32
    %mul3A_61 = vector.broadcast %mul3A_60 : i32 to vector<8x128xi32>
    %mul3A_62 = arith.muli %iota3A_59, %mul3A_61 : vector<8x128xi32>
    %convert_element_type3A_63 = arith.sitofp %mul3A_62 : vector<8x128xi32> to vector<8x128xf32>
    %broadcast_in_dim3A_64 = arith.constant 0 : i32
    %broadcast_in_dim3A_65 = vector.broadcast %broadcast_in_dim3A_64 : i32 to vector<8x128xi32>
    %iota3A_66 = tpu.iota {dimensions = array<i32: 1>} : vector<1x8xi32>
    %eq3A_67 = arith.constant 0 : i32
    %eq3A_68 = vector.broadcast %eq3A_67 : i32 to vector<1x8xi32>
    %eq3A_69 = arith.cmpi eq, %iota3A_66, %eq3A_68 : vector<1x8xi32>
    %convert_element_type3A_70 = arith.extui %eq3A_69 : vector<1x8xi1> to vector<1x8xi32>
    %convert_element_type3A_71 = arith.sitofp %convert_element_type3A_70 : vector<1x8xi32> to vector<1x8xf32>
    %mul3A_72 = arith.mulf %add3A_53, %convert_element_type3A_71 : vector<1x8xf32>
    %reduce_sum3A_73 = vector.shape_cast %mul3A_72 : vector<1x8xf32> to vector<1x1x8xf32>
    %reduce_sum3A_74 = arith.constant dense<0.000000e+00> : vector<1xf32>
    %reduce_sum3A_75 = vector.multi_reduction <add>, %reduce_sum3A_73, %reduce_sum3A_74 [1, 2] : vector<1x1x8xf32> to vector<1xf32>
    %reduce_sum3A_76 = vector.shape_cast %reduce_sum3A_75 : vector<1xf32> to vector<1x1x1xf32>
    %reduce_sum3A_77 = vector.extract %reduce_sum3A_76[0, 0, 0] : f32 from vector<1x1x1xf32>
    %ge3A = vector.broadcast %reduce_sum3A_77 : f32 to vector<8x128xf32>
    %ge3A_78 = arith.cmpf oge, %convert_element_type3A_63, %ge3A : vector<8x128xf32>
    %convert_element_type3A_79 = arith.extui %ge3A_78 : vector<8x128xi1> to vector<8x128xi32>
    %add3A_80 = arith.addi %broadcast_in_dim3A_65, %convert_element_type3A_79 : vector<8x128xi32>
    %iota3A_81 = tpu.iota {dimensions = array<i32: 1>} : vector<1x8xi32>
    %eq3A_82 = arith.constant 1 : i32
    %eq3A_83 = vector.broadcast %eq3A_82 : i32 to vector<1x8xi32>
    %eq3A_84 = arith.cmpi eq, %iota3A_81, %eq3A_83 : vector<1x8xi32>
    %convert_element_type3A_85 = arith.extui %eq3A_84 : vector<1x8xi1> to vector<1x8xi32>
    %convert_element_type3A_86 = arith.sitofp %convert_element_type3A_85 : vector<1x8xi32> to vector<1x8xf32>
    %mul3A_87 = arith.mulf %add3A_53, %convert_element_type3A_86 : vector<1x8xf32>
    %reduce_sum3A_88 = vector.shape_cast %mul3A_87 : vector<1x8xf32> to vector<1x1x8xf32>
    %reduce_sum3A_89 = arith.constant dense<0.000000e+00> : vector<1xf32>
    %reduce_sum3A_90 = vector.multi_reduction <add>, %reduce_sum3A_88, %reduce_sum3A_89 [1, 2] : vector<1x1x8xf32> to vector<1xf32>
    %reduce_sum3A_91 = vector.shape_cast %reduce_sum3A_90 : vector<1xf32> to vector<1x1x1xf32>
    %reduce_sum3A_92 = vector.extract %reduce_sum3A_91[0, 0, 0] : f32 from vector<1x1x1xf32>
    %ge3A_93 = vector.broadcast %reduce_sum3A_92 : f32 to vector<8x128xf32>
    %ge3A_94 = arith.cmpf oge, %convert_element_type3A_63, %ge3A_93 : vector<8x128xf32>
    %convert_element_type3A_95 = arith.extui %ge3A_94 : vector<8x128xi1> to vector<8x128xi32>
    %add3A_96 = arith.addi %add3A_80, %convert_element_type3A_95 : vector<8x128xi32>
    %iota3A_97 = tpu.iota {dimensions = array<i32: 1>} : vector<1x8xi32>
    %eq3A_98 = arith.constant 2 : i32
    %eq3A_99 = vector.broadcast %eq3A_98 : i32 to vector<1x8xi32>
    %eq3A_100 = arith.cmpi eq, %iota3A_97, %eq3A_99 : vector<1x8xi32>
    %convert_element_type3A_101 = arith.extui %eq3A_100 : vector<1x8xi1> to vector<1x8xi32>
    %convert_element_type3A_102 = arith.sitofp %convert_element_type3A_101 : vector<1x8xi32> to vector<1x8xf32>
    %mul3A_103 = arith.mulf %add3A_53, %convert_element_type3A_102 : vector<1x8xf32>
    %reduce_sum3A_104 = vector.shape_cast %mul3A_103 : vector<1x8xf32> to vector<1x1x8xf32>
    %reduce_sum3A_105 = arith.constant dense<0.000000e+00> : vector<1xf32>
    %reduce_sum3A_106 = vector.multi_reduction <add>, %reduce_sum3A_104, %reduce_sum3A_105 [1, 2] : vector<1x1x8xf32> to vector<1xf32>
    %reduce_sum3A_107 = vector.shape_cast %reduce_sum3A_106 : vector<1xf32> to vector<1x1x1xf32>
    %reduce_sum3A_108 = vector.extract %reduce_sum3A_107[0, 0, 0] : f32 from vector<1x1x1xf32>
    %ge3A_109 = vector.broadcast %reduce_sum3A_108 : f32 to vector<8x128xf32>
    %ge3A_110 = arith.cmpf oge, %convert_element_type3A_63, %ge3A_109 : vector<8x128xf32>
    %convert_element_type3A_111 = arith.extui %ge3A_110 : vector<8x128xi1> to vector<8x128xi32>
    %add3A_112 = arith.addi %add3A_96, %convert_element_type3A_111 : vector<8x128xi32>
    %iota3A_113 = tpu.iota {dimensions = array<i32: 1>} : vector<1x8xi32>
    %eq3A_114 = arith.constant 3 : i32
    %eq3A_115 = vector.broadcast %eq3A_114 : i32 to vector<1x8xi32>
    %eq3A_116 = arith.cmpi eq, %iota3A_113, %eq3A_115 : vector<1x8xi32>
    %convert_element_type3A_117 = arith.extui %eq3A_116 : vector<1x8xi1> to vector<1x8xi32>
    %convert_element_type3A_118 = arith.sitofp %convert_element_type3A_117 : vector<1x8xi32> to vector<1x8xf32>
    %mul3A_119 = arith.mulf %add3A_53, %convert_element_type3A_118 : vector<1x8xf32>
    %reduce_sum3A_120 = vector.shape_cast %mul3A_119 : vector<1x8xf32> to vector<1x1x8xf32>
    %reduce_sum3A_121 = arith.constant dense<0.000000e+00> : vector<1xf32>
    %reduce_sum3A_122 = vector.multi_reduction <add>, %reduce_sum3A_120, %reduce_sum3A_121 [1, 2] : vector<1x1x8xf32> to vector<1xf32>
    %reduce_sum3A_123 = vector.shape_cast %reduce_sum3A_122 : vector<1xf32> to vector<1x1x1xf32>
    %reduce_sum3A_124 = vector.extract %reduce_sum3A_123[0, 0, 0] : f32 from vector<1x1x1xf32>
    %ge3A_125 = vector.broadcast %reduce_sum3A_124 : f32 to vector<8x128xf32>
    %ge3A_126 = arith.cmpf oge, %convert_element_type3A_63, %ge3A_125 : vector<8x128xf32>
    %convert_element_type3A_127 = arith.extui %ge3A_126 : vector<8x128xi1> to vector<8x128xi32>
    %add3A_128 = arith.addi %add3A_112, %convert_element_type3A_127 : vector<8x128xi32>
    %iota3A_129 = tpu.iota {dimensions = array<i32: 1>} : vector<1x8xi32>
    %eq3A_130 = arith.constant 4 : i32
    %eq3A_131 = vector.broadcast %eq3A_130 : i32 to vector<1x8xi32>
    %eq3A_132 = arith.cmpi eq, %iota3A_129, %eq3A_131 : vector<1x8xi32>
    %convert_element_type3A_133 = arith.extui %eq3A_132 : vector<1x8xi1> to vector<1x8xi32>
    %convert_element_type3A_134 = arith.sitofp %convert_element_type3A_133 : vector<1x8xi32> to vector<1x8xf32>
    %mul3A_135 = arith.mulf %add3A_53, %convert_element_type3A_134 : vector<1x8xf32>
    %reduce_sum3A_136 = vector.shape_cast %mul3A_135 : vector<1x8xf32> to vector<1x1x8xf32>
    %reduce_sum3A_137 = arith.constant dense<0.000000e+00> : vector<1xf32>
    %reduce_sum3A_138 = vector.multi_reduction <add>, %reduce_sum3A_136, %reduce_sum3A_137 [1, 2] : vector<1x1x8xf32> to vector<1xf32>
    %reduce_sum3A_139 = vector.shape_cast %reduce_sum3A_138 : vector<1xf32> to vector<1x1x1xf32>
    %reduce_sum3A_140 = vector.extract %reduce_sum3A_139[0, 0, 0] : f32 from vector<1x1x1xf32>
    %ge3A_141 = vector.broadcast %reduce_sum3A_140 : f32 to vector<8x128xf32>
    %ge3A_142 = arith.cmpf oge, %convert_element_type3A_63, %ge3A_141 : vector<8x128xf32>
    %convert_element_type3A_143 = arith.extui %ge3A_142 : vector<8x128xi1> to vector<8x128xi32>
    %add3A_144 = arith.addi %add3A_128, %convert_element_type3A_143 : vector<8x128xi32>
    %iota3A_145 = tpu.iota {dimensions = array<i32: 1>} : vector<1x8xi32>
    %eq3A_146 = arith.constant 5 : i32
    %eq3A_147 = vector.broadcast %eq3A_146 : i32 to vector<1x8xi32>
    %eq3A_148 = arith.cmpi eq, %iota3A_145, %eq3A_147 : vector<1x8xi32>
    %convert_element_type3A_149 = arith.extui %eq3A_148 : vector<1x8xi1> to vector<1x8xi32>
    %convert_element_type3A_150 = arith.sitofp %convert_element_type3A_149 : vector<1x8xi32> to vector<1x8xf32>
    %mul3A_151 = arith.mulf %add3A_53, %convert_element_type3A_150 : vector<1x8xf32>
    %reduce_sum3A_152 = vector.shape_cast %mul3A_151 : vector<1x8xf32> to vector<1x1x8xf32>
    %reduce_sum3A_153 = arith.constant dense<0.000000e+00> : vector<1xf32>
    %reduce_sum3A_154 = vector.multi_reduction <add>, %reduce_sum3A_152, %reduce_sum3A_153 [1, 2] : vector<1x1x8xf32> to vector<1xf32>
    %reduce_sum3A_155 = vector.shape_cast %reduce_sum3A_154 : vector<1xf32> to vector<1x1x1xf32>
    %reduce_sum3A_156 = vector.extract %reduce_sum3A_155[0, 0, 0] : f32 from vector<1x1x1xf32>
    %ge3A_157 = vector.broadcast %reduce_sum3A_156 : f32 to vector<8x128xf32>
    %ge3A_158 = arith.cmpf oge, %convert_element_type3A_63, %ge3A_157 : vector<8x128xf32>
    %convert_element_type3A_159 = arith.extui %ge3A_158 : vector<8x128xi1> to vector<8x128xi32>
    %add3A_160 = arith.addi %add3A_144, %convert_element_type3A_159 : vector<8x128xi32>
    %iota3A_161 = tpu.iota {dimensions = array<i32: 1>} : vector<1x8xi32>
    %eq3A_162 = arith.constant 6 : i32
    %eq3A_163 = vector.broadcast %eq3A_162 : i32 to vector<1x8xi32>
    %eq3A_164 = arith.cmpi eq, %iota3A_161, %eq3A_163 : vector<1x8xi32>
    %convert_element_type3A_165 = arith.extui %eq3A_164 : vector<1x8xi1> to vector<1x8xi32>
    %convert_element_type3A_166 = arith.sitofp %convert_element_type3A_165 : vector<1x8xi32> to vector<1x8xf32>
    %mul3A_167 = arith.mulf %add3A_53, %convert_element_type3A_166 : vector<1x8xf32>
    %reduce_sum3A_168 = vector.shape_cast %mul3A_167 : vector<1x8xf32> to vector<1x1x8xf32>
    %reduce_sum3A_169 = arith.constant dense<0.000000e+00> : vector<1xf32>
    %reduce_sum3A_170 = vector.multi_reduction <add>, %reduce_sum3A_168, %reduce_sum3A_169 [1, 2] : vector<1x1x8xf32> to vector<1xf32>
    %reduce_sum3A_171 = vector.shape_cast %reduce_sum3A_170 : vector<1xf32> to vector<1x1x1xf32>
    %reduce_sum3A_172 = vector.extract %reduce_sum3A_171[0, 0, 0] : f32 from vector<1x1x1xf32>
    %ge3A_173 = vector.broadcast %reduce_sum3A_172 : f32 to vector<8x128xf32>
    %ge3A_174 = arith.cmpf oge, %convert_element_type3A_63, %ge3A_173 : vector<8x128xf32>
    %convert_element_type3A_175 = arith.extui %ge3A_174 : vector<8x128xi1> to vector<8x128xi32>
    %add3A_176 = arith.addi %add3A_160, %convert_element_type3A_175 : vector<8x128xi32>
    %iota3A_177 = tpu.iota {dimensions = array<i32: 1>} : vector<1x8xi32>
    %eq3A_178 = arith.constant 7 : i32
    %eq3A_179 = vector.broadcast %eq3A_178 : i32 to vector<1x8xi32>
    %eq3A_180 = arith.cmpi eq, %iota3A_177, %eq3A_179 : vector<1x8xi32>
    %convert_element_type3A_181 = arith.extui %eq3A_180 : vector<1x8xi1> to vector<1x8xi32>
    %convert_element_type3A_182 = arith.sitofp %convert_element_type3A_181 : vector<1x8xi32> to vector<1x8xf32>
    %mul3A_183 = arith.mulf %add3A_53, %convert_element_type3A_182 : vector<1x8xf32>
    %reduce_sum3A_184 = vector.shape_cast %mul3A_183 : vector<1x8xf32> to vector<1x1x8xf32>
    %reduce_sum3A_185 = arith.constant dense<0.000000e+00> : vector<1xf32>
    %reduce_sum3A_186 = vector.multi_reduction <add>, %reduce_sum3A_184, %reduce_sum3A_185 [1, 2] : vector<1x1x8xf32> to vector<1xf32>
    %reduce_sum3A_187 = vector.shape_cast %reduce_sum3A_186 : vector<1xf32> to vector<1x1x1xf32>
    %reduce_sum3A_188 = vector.extract %reduce_sum3A_187[0, 0, 0] : f32 from vector<1x1x1xf32>
    %ge3A_189 = vector.broadcast %reduce_sum3A_188 : f32 to vector<8x128xf32>
    %ge3A_190 = arith.cmpf oge, %convert_element_type3A_63, %ge3A_189 : vector<8x128xf32>
    %convert_element_type3A_191 = arith.extui %ge3A_190 : vector<8x128xi1> to vector<8x128xi32>
    %add3A_192 = arith.addi %add3A_176, %convert_element_type3A_191 : vector<8x128xi32>
    %min3A = arith.constant 7 : i32
    %min3A_193 = vector.broadcast %min3A : i32 to vector<8x128xi32>
    %min3A_194 = arith.minsi %add3A_192, %min3A_193 : vector<8x128xi32>
    %swap3A_195 = arith.constant 0 : index
    %swap3A_196 = arith.constant 0 : index
    %swap3A_197 = vector.load %arg2[%swap3A_195, %swap3A_196] : memref<8x128xi32, #tpu.memory_space<vmem>>, vector<8x128xi32>
    tpu.vector_store %arg2[%swap3A_195, %swap3A_196], %min3A_194 {strides = array<i32>} : memref<8x128xi32, #tpu.memory_space<vmem>>, vector<8x128xi32>,
    %lt3A_198 = vector.broadcast %reduce_sum3A_58 : f32 to vector<8x128xf32>
    %lt3A_199 = arith.cmpf olt, %convert_element_type3A_63, %lt3A_198 : vector<8x128xf32>
    %convert_element_type3A_200 = arith.extui %lt3A_199 : vector<8x128xi1> to vector<8x128xi32>
    %swap3A_201 = arith.constant 0 : index
    %swap3A_202 = arith.constant 0 : index
    %swap3A_203 = vector.load %arg3[%swap3A_201, %swap3A_202] : memref<8x128xi32, #tpu.memory_space<vmem>>, vector<8x128xi32>
    tpu.vector_store %arg3[%swap3A_201, %swap3A_202], %convert_element_type3A_200 {strides = array<i32>} : memref<8x128xi32, #tpu.memory_space<vmem>>, vector<8x128xi32>,
    return
  }
}

module attributes {stable_mosaic.version = 14 : i64} {
  func.func @_router_body(%arg0: memref<2048x2048xf32, #tpu.memory_space<vmem>>, %arg1: memref<2048x8xf32, #tpu.memory_space<vmem>>, %arg2: memref<2048x2xi32, #tpu.memory_space<vmem>>, %arg3: memref<2048x2xf32, #tpu.memory_space<vmem>>) attributes {dimension_semantics = [], scalar_prefetch = 0 : i64, scratch_operands = 0 : i64, tpu.core_type = #tpu.core_type<tc>} {
    %get3A = arith.constant 0 : index
    %get3A_0 = arith.constant 0 : index
    %get3A_1 = vector.load %arg0[%get3A, %get3A_0] : memref<2048x2048xf32, #tpu.memory_space<vmem>>, vector<2048x2048xf32>
    %get3A_2 = arith.constant 0 : index
    %get3A_3 = arith.constant 0 : index
    %get3A_4 = vector.load %arg1[%get3A_2, %get3A_3] : memref<2048x8xf32, #tpu.memory_space<vmem>>, vector<2048x8xf32>
    %dot_general3A = arith.constant dense<0.000000e+00> : vector<2048x8xf32>
    %dot_general3A_5 = tpu.matmul %get3A_1, %get3A_4, %dot_general3A {dimension_numbers = #tpu.dot_dimension_numbers<[1], [0], [0], [1], [0, 0, 1, 1], [], []>, transpose_lhs_hint = false} : vector<2048x2048xf32>, vector<2048x8xf32>, vector<2048x8xf32> -> vector<2048x8xf32>
    %iota3A = tpu.iota {dimensions = array<i32: 1>} : vector<2048x8xi32>
    %reduce_max3A = arith.constant dense<0xFF800000> : vector<2048xf32>
    %reduce_max3A_6 = vector.multi_reduction <maximumf>, %dot_general3A_5, %reduce_max3A [1] : vector<2048x8xf32> to vector<2048xf32>
    %broadcast_in_dim3A = vector.shape_cast %reduce_max3A_6 : vector<2048xf32> to vector<2048x1xf32>
    %eq3A = vector.broadcast %broadcast_in_dim3A : vector<2048x1xf32> to vector<2048x8xf32>
    %eq3A_7 = arith.cmpf oeq, %dot_general3A_5, %eq3A : vector<2048x8xf32>
    %jit3A = arith.constant 8 : i32
    %broadcast_in_dim3A_8 = vector.broadcast %jit3A : i32 to vector<2048x8xi32>
    %select_n3A = arith.select %eq3A_7, %iota3A, %broadcast_in_dim3A_8 : vector<2048x8xi1>, vector<2048x8xi32>
    %reduce_min3A = arith.constant dense<2147483647> : vector<2048xi32>
    %reduce_min3A_9 = vector.multi_reduction <minsi>, %select_n3A, %reduce_min3A [1] : vector<2048x8xi32> to vector<2048xi32>
    %broadcast_in_dim3A_10 = vector.shape_cast %reduce_min3A_9 : vector<2048xi32> to vector<2048x1xi32>
    %eq3A_11 = vector.broadcast %broadcast_in_dim3A_10 : vector<2048x1xi32> to vector<2048x8xi32>
    %eq3A_12 = arith.cmpi eq, %iota3A, %eq3A_11 : vector<2048x8xi32>
    %jit3A_13 = arith.constant 0xFF800000 : f32
    %broadcast_in_dim3A_14 = vector.broadcast %jit3A_13 : f32 to vector<2048x8xf32>
    %select_n3A_15 = arith.select %eq3A_12, %broadcast_in_dim3A_14, %dot_general3A_5 : vector<2048x8xi1>, vector<2048x8xf32>
    %reduce_max3A_16 = arith.constant dense<0xFF800000> : vector<2048xf32>
    %reduce_max3A_17 = vector.multi_reduction <maximumf>, %select_n3A_15, %reduce_max3A_16 [1] : vector<2048x8xf32> to vector<2048xf32>
    %broadcast_in_dim3A_18 = vector.shape_cast %reduce_max3A_17 : vector<2048xf32> to vector<2048x1xf32>
    %eq3A_19 = vector.broadcast %broadcast_in_dim3A_18 : vector<2048x1xf32> to vector<2048x8xf32>
    %eq3A_20 = arith.cmpf oeq, %select_n3A_15, %eq3A_19 : vector<2048x8xf32>
    %jit3A_21 = arith.constant 8 : i32
    %broadcast_in_dim3A_22 = vector.broadcast %jit3A_21 : i32 to vector<2048x8xi32>
    %select_n3A_23 = arith.select %eq3A_20, %iota3A, %broadcast_in_dim3A_22 : vector<2048x8xi1>, vector<2048x8xi32>
    %reduce_min3A_24 = arith.constant dense<2147483647> : vector<2048xi32>
    %reduce_min3A_25 = vector.multi_reduction <minsi>, %select_n3A_23, %reduce_min3A_24 [1] : vector<2048x8xi32> to vector<2048xi32>
    %broadcast_in_dim3A_26 = vector.shape_cast %reduce_min3A_25 : vector<2048xi32> to vector<2048x1xi32>
    %sub3A = arith.subf %broadcast_in_dim3A_18, %broadcast_in_dim3A : vector<2048x1xf32>
    %exp3A = math.exp %sub3A : vector<2048x1xf32>
    %add3A = arith.constant 1.000000e+00 : f32
    %add3A_27 = vector.broadcast %add3A : f32 to vector<2048x1xf32>
    %add3A_28 = arith.addf %add3A_27, %exp3A : vector<2048x1xf32>
    %div3A = arith.constant 1.000000e+00 : f32
    %div3A_29 = vector.broadcast %div3A : f32 to vector<2048x1xf32>
    %div3A_30 = arith.divf %div3A_29, %add3A_28 : vector<2048x1xf32>
    %concatenate3A = tpu.concatenate %broadcast_in_dim3A_10, %broadcast_in_dim3A_26 in 1 : vector<2048x1xi32>, vector<2048x1xi32> -> vector<2048x2xi32>
    %swap3A = arith.constant 0 : index
    %swap3A_31 = arith.constant 0 : index
    %swap3A_32 = vector.load %arg2[%swap3A, %swap3A_31] : memref<2048x2xi32, #tpu.memory_space<vmem>>, vector<2048x2xi32>
    tpu.vector_store %arg2[%swap3A, %swap3A_31], %concatenate3A {strides = array<i32>} : memref<2048x2xi32, #tpu.memory_space<vmem>>, vector<2048x2xi32>,
    %sub3A_33 = arith.constant 1.000000e+00 : f32
    %sub3A_34 = vector.broadcast %sub3A_33 : f32 to vector<2048x1xf32>
    %sub3A_35 = arith.subf %sub3A_34, %div3A_30 : vector<2048x1xf32>
    %concatenate3A_36 = tpu.concatenate %div3A_30, %sub3A_35 in 1 : vector<2048x1xf32>, vector<2048x1xf32> -> vector<2048x2xf32>
    %swap3A_37 = arith.constant 0 : index
    %swap3A_38 = arith.constant 0 : index
    %swap3A_39 = vector.load %arg3[%swap3A_37, %swap3A_38] : memref<2048x2xf32, #tpu.memory_space<vmem>>, vector<2048x2xf32>
    tpu.vector_store %arg3[%swap3A_37, %swap3A_38], %concatenate3A_36 {strides = array<i32>} : memref<2048x2xf32, #tpu.memory_space<vmem>>, vector<2048x2xf32>,
    return
  }
}

module attributes {stable_mosaic.version = 14 : i64} {
  func.func @_mlp1_body(%arg0: i32, %arg1: i32, %arg2: memref<32xi32, #tpu.memory_space<smem>>, %arg3: memref<32xi32, #tpu.memory_space<smem>>, %arg4: memref<2048x2048xbf16, #tpu.memory_space<vmem>>, %arg5: memref<1x256x1xi32, #tpu.memory_space<vmem>>, %arg6: memref<1x2048x1024xf32, #tpu.memory_space<vmem>>, %arg7: memref<256x512xbf16, #tpu.memory_space<vmem>>, %arg8: memref<256x2048xbf16, #tpu.memory_space<vmem>>) attributes {dimension_semantics = [#tpu.dimension_semantics<arbitrary>, #tpu.dimension_semantics<arbitrary>], iteration_bounds = array<i64: 24, 2>, scalar_prefetch = 2 : i64, scratch_operands = 1 : i64, tpu.core_type = #tpu.core_type<tc>, window_params = [{pipeline_mode = #tpu.pipeline_mode<synchronous>, transform_indices = @transform_0, window_bounds = array<i64: 2048, 2048>}, {transform_indices = @transform_1, window_bounds = array<i64: 1, 256, 1>}, {transform_indices = @transform_2, window_bounds = array<i64: 1, 2048, 1024>}, {transform_indices = @transform_3, window_bounds = array<i64: 256, 512>}]} {
    %get3A = arith.index_cast %arg0 : i32 to index
    %get3A_0 = memref.load %arg3[%get3A] : memref<32xi32, #tpu.memory_space<smem>>
    %eq3A = arith.constant 1 : i32
    %eq3A_1 = arith.cmpi eq, %get3A_0, %eq3A : i32
    %eq3A_2 = arith.constant 0 : i32
    %eq3A_3 = arith.cmpi eq, %arg1, %eq3A_2 : i32
    %and3A = arith.andi %eq3A_1, %eq3A_3 : i1
    %convert_element_type3A = arith.extui %and3A : i1 to i32
    %cond3A = arith.constant 0 : i32
    %cond3A_4 = arith.cmpi ne, %convert_element_type3A, %cond3A : i32
    scf.if %cond3A_4 {
      %get3A_19 = arith.constant 0 : index
      %get3A_20 = arith.constant 0 : index
      %get3A_21 = arith.constant 0 : index
      %get3A_22 = vector.load %arg5[%get3A_19, %get3A_20, %get3A_21] : memref<1x256x1xi32, #tpu.memory_space<vmem>>, vector<1x256x1xi32>
      %get3A_23 = vector.shape_cast %get3A_22 : vector<1x256x1xi32> to vector<256x1xi32>
      %iota3A = tpu.iota {dimensions = array<i32: 1>} : vector<256x2048xi32>
      %eq3A_24 = vector.broadcast %get3A_23 : vector<256x1xi32> to vector<256x2048xi32>
      %eq3A_25 = arith.cmpi eq, %eq3A_24, %iota3A : vector<256x2048xi32>
      %convert_element_type3A_26 = arith.extui %eq3A_25 : vector<256x2048xi1> to vector<256x2048xi32>
      %convert_element_type3A_27 = arith.sitofp %convert_element_type3A_26 : vector<256x2048xi32> to vector<256x2048xf32>
      %convert_element_type3A_28 = arith.truncf %convert_element_type3A_27 : vector<256x2048xf32> to vector<256x2048xbf16>
      %get3A_29 = arith.constant 0 : index
      %get3A_30 = arith.constant 0 : index
      %get3A_31 = vector.load %arg4[%get3A_29, %get3A_30] : memref<2048x2048xbf16, #tpu.memory_space<vmem>>, vector<2048x2048xbf16>
      %dot_general3A = arith.constant dense<0.000000e+00> : vector<256x2048xf32>
      %dot_general3A_32 = tpu.matmul %convert_element_type3A_28, %get3A_31, %dot_general3A {dimension_numbers = #tpu.dot_dimension_numbers<[1], [0], [0], [1], [0, 0, 1, 1], [], []>, transpose_lhs_hint = false} : vector<256x2048xbf16>, vector<2048x2048xbf16>, vector<256x2048xf32> -> vector<256x2048xf32>
      %convert_element_type3A_33 = arith.truncf %dot_general3A_32 : vector<256x2048xf32> to vector<256x2048xbf16>
      %swap3A = arith.constant 0 : index
      %swap3A_34 = arith.constant 0 : index
      %swap3A_35 = vector.load %arg8[%swap3A, %swap3A_34] : memref<256x2048xbf16, #tpu.memory_space<vmem>>, vector<256x2048xbf16>
      tpu.vector_store %arg8[%swap3A, %swap3A_34], %convert_element_type3A_33 {strides = array<i32>} : memref<256x2048xbf16, #tpu.memory_space<vmem>>, vector<256x2048xbf16>,
    } else {
    }
    %get3A_5 = arith.index_cast %arg0 : i32 to index
    %get3A_6 = memref.load %arg3[%get3A_5] : memref<32xi32, #tpu.memory_space<smem>>
    %eq3A_7 = arith.constant 1 : i32
    %eq3A_8 = arith.cmpi eq, %get3A_6, %eq3A_7 : i32
    %convert_element_type3A_9 = arith.extui %eq3A_8 : i1 to i32
    %cond3A_10 = arith.constant 0 : i32
    %cond3A_11 = arith.cmpi ne, %convert_element_type3A_9, %cond3A_10 : i32
    scf.if %cond3A_11 {
      %get3A_19 = arith.constant 0 : index
      %get3A_20 = arith.constant 0 : index
      %get3A_21 = arith.constant 0 : index
      %get3A_22 = vector.load %arg6[%get3A_19, %get3A_20, %get3A_21] : memref<1x2048x1024xf32, #tpu.memory_space<vmem>>, vector<1x2048x1024xf32>
      %get3A_23 = vector.shape_cast %get3A_22 : vector<1x2048x1024xf32> to vector<2048x1024xf32>
      %convert_element_type3A_24 = arith.truncf %get3A_23 : vector<2048x1024xf32> to vector<2048x1024xbf16>
      %get3A_25 = arith.constant 0 : index
      %get3A_26 = arith.constant 0 : index
      %get3A_27 = vector.load %arg8[%get3A_25, %get3A_26] : memref<256x2048xbf16, #tpu.memory_space<vmem>>, vector<256x2048xbf16>
      %dot_general3A = arith.constant dense<0.000000e+00> : vector<256x1024xf32>
      %dot_general3A_28 = tpu.matmul %get3A_27, %convert_element_type3A_24, %dot_general3A {dimension_numbers = #tpu.dot_dimension_numbers<[1], [0], [0], [1], [0, 0, 1, 1], [], []>, transpose_lhs_hint = false} : vector<256x2048xbf16>, vector<2048x1024xbf16>, vector<256x1024xf32> -> vector<256x1024xf32>
      %min3A = arith.constant 7.000000e+00 : f32
      %min3A_29 = vector.broadcast %min3A : f32 to vector<256x1024xf32>
      %min3A_30 = arith.minimumf %dot_general3A_28, %min3A_29 : vector<256x1024xf32>
      %slice3A = vector.extract_strided_slice %dot_general3A_28 {offsets = [0, 1], sizes = [256, 1023], strides = [1, 1]} : vector<256x1024xf32> to vector<256x1023xf32>
      %slice3A_31 = vector.extract_strided_slice %dot_general3A_28 {offsets = [0, 0], sizes = [256, 1], strides = [1, 1]} : vector<256x1024xf32> to vector<256x1xf32>
      %concatenate3A = tpu.concatenate %slice3A, %slice3A_31 in 1 : vector<256x1023xf32>, vector<256x1xf32> -> vector<256x1024xf32>
      %jit3A = arith.constant -7.000000e+00 : f32
      %jit3A_32 = arith.constant 7.000000e+00 : f32
      %max3A = vector.broadcast %jit3A : f32 to vector<256x1024xf32>
      %max3A_33 = arith.maximumf %max3A, %concatenate3A : vector<256x1024xf32>
      %min3A_34 = vector.broadcast %jit3A_32 : f32 to vector<256x1024xf32>
      %min3A_35 = arith.minimumf %min3A_34, %max3A_33 : vector<256x1024xf32>
      %mul3A = arith.constant -1.702000e+00 : f32
      %mul3A_36 = vector.broadcast %mul3A : f32 to vector<256x1024xf32>
      %mul3A_37 = arith.mulf %mul3A_36, %min3A_30 : vector<256x1024xf32>
      %exp3A = math.exp %mul3A_37 : vector<256x1024xf32>
      %add3A = arith.constant 1.000000e+00 : f32
      %add3A_38 = vector.broadcast %add3A : f32 to vector<256x1024xf32>
      %add3A_39 = arith.addf %add3A_38, %exp3A : vector<256x1024xf32>
      %div3A = arith.divf %min3A_30, %add3A_39 : vector<256x1024xf32>
      %add3A_40 = arith.constant 1.000000e+00 : f32
      %add3A_41 = vector.broadcast %add3A_40 : f32 to vector<256x1024xf32>
      %add3A_42 = arith.addf %min3A_35, %add3A_41 : vector<256x1024xf32>
      %mul3A_43 = arith.mulf %add3A_42, %div3A : vector<256x1024xf32>
      %iota3A = tpu.iota {dimensions = array<i32: 0>} : vector<1024x512xi32>
      %iota3A_44 = tpu.iota {dimensions = array<i32: 1>} : vector<1024x512xi32>
      %mul3A_45 = arith.constant 2 : i32
      %mul3A_46 = vector.broadcast %mul3A_45 : i32 to vector<1024x512xi32>
      %mul3A_47 = arith.muli %mul3A_46, %iota3A_44 : vector<1024x512xi32>
      %eq3A_48 = arith.cmpi eq, %iota3A, %mul3A_47 : vector<1024x512xi32>
      %convert_element_type3A_49 = arith.extui %eq3A_48 : vector<1024x512xi1> to vector<1024x512xi32>
      %convert_element_type3A_50 = arith.sitofp %convert_element_type3A_49 : vector<1024x512xi32> to vector<1024x512xf32>
      %convert_element_type3A_51 = arith.truncf %convert_element_type3A_50 : vector<1024x512xf32> to vector<1024x512xbf16>
      %convert_element_type3A_52 = arith.truncf %mul3A_43 : vector<256x1024xf32> to vector<256x1024xbf16>
      %dot_general3A_53 = arith.constant dense<0.000000e+00> : vector<256x512xf32>
      %dot_general3A_54 = tpu.matmul %convert_element_type3A_52, %convert_element_type3A_51, %dot_general3A_53 {dimension_numbers = #tpu.dot_dimension_numbers<[1], [0], [0], [1], [0, 0, 1, 1], [], []>, transpose_lhs_hint = false} : vector<256x1024xbf16>, vector<1024x512xbf16>, vector<256x512xf32> -> vector<256x512xf32>
      %convert_element_type3A_55 = arith.truncf %dot_general3A_54 : vector<256x512xf32> to vector<256x512xbf16>
      %swap3A = arith.constant 0 : index
      %swap3A_56 = arith.constant 0 : index
      %swap3A_57 = vector.load %arg7[%swap3A, %swap3A_56] : memref<256x512xbf16, #tpu.memory_space<vmem>>, vector<256x512xbf16>
      tpu.vector_store %arg7[%swap3A, %swap3A_56], %convert_element_type3A_55 {strides = array<i32>} : memref<256x512xbf16, #tpu.memory_space<vmem>>, vector<256x512xbf16>,
    } else {
    }
    %get3A_12 = arith.index_cast %arg0 : i32 to index
    %get3A_13 = memref.load %arg3[%get3A_12] : memref<32xi32, #tpu.memory_space<smem>>
    %eq3A_14 = arith.constant 0 : i32
    %eq3A_15 = arith.cmpi eq, %get3A_13, %eq3A_14 : i32
    %convert_element_type3A_16 = arith.extui %eq3A_15 : i1 to i32
    %cond3A_17 = arith.constant 0 : i32
    %cond3A_18 = arith.cmpi ne, %convert_element_type3A_16, %cond3A_17 : i32
    scf.if %cond3A_18 {
      %broadcast_in_dim3A = arith.constant 0.000000e+00 : bf16
      %broadcast_in_dim3A_19 = vector.broadcast %broadcast_in_dim3A : bf16 to vector<256x512xbf16>
      %swap3A = arith.constant 0 : index
      %swap3A_20 = arith.constant 0 : index
      %swap3A_21 = vector.load %arg7[%swap3A, %swap3A_20] : memref<256x512xbf16, #tpu.memory_space<vmem>>, vector<256x512xbf16>
      tpu.vector_store %arg7[%swap3A, %swap3A_20], %broadcast_in_dim3A_19 {strides = array<i32>} : memref<256x512xbf16, #tpu.memory_space<vmem>>, vector<256x512xbf16>,
    } else {
    }
    return
  }
  func.func @transform_0(%arg0: i32, %arg1: i32, %arg2: memref<32xi32, #tpu.memory_space<smem>>, %arg3: memref<32xi32, #tpu.memory_space<smem>>) -> (i32, i32) {
    %c0_i32 = arith.constant 0 : i32
    %c0_i32_0 = arith.constant 0 : i32
    %c0_i32_1 = arith.constant 0 : i32
    return %c0_i32, %c0_i32_0 : i32, i32
  }
  func.func @transform_1(%arg0: i32, %arg1: i32, %arg2: memref<32xi32, #tpu.memory_space<smem>>, %arg3: memref<32xi32, #tpu.memory_space<smem>>) -> (i32, i32, i32) {
    %c0_i32 = arith.constant 0 : i32
    %c0_i32_0 = arith.constant 0 : i32
    %c0_i32_1 = arith.constant 0 : i32
    return %arg0, %c0_i32, %c0_i32_0 : i32, i32, i32
  }
  func.func @transform_2(%arg0: i32, %arg1: i32, %arg2: memref<32xi32, #tpu.memory_space<smem>>, %arg3: memref<32xi32, #tpu.memory_space<smem>>) -> (i32, i32, i32) {
    %get3A = arith.index_cast %arg0 : i32 to index
    %get3A_0 = memref.load %arg2[%get3A] : memref<32xi32, #tpu.memory_space<smem>>
    %c0_i32 = arith.constant 0 : i32
    %c0_i32_1 = arith.constant 0 : i32
    return %get3A_0, %c0_i32, %arg1 : i32, i32, i32
  }
  func.func @transform_3(%arg0: i32, %arg1: i32, %arg2: memref<32xi32, #tpu.memory_space<smem>>, %arg3: memref<32xi32, #tpu.memory_space<smem>>) -> (i32, i32) {
    %c0_i32 = arith.constant 0 : i32
    return %arg0, %arg1 : i32, i32
  }
}

module attributes {stable_mosaic.version = 14 : i64} {
  func.func @_mlp2_body(%arg0: i32, %arg1: i32, %arg2: memref<32xi32, #tpu.memory_space<smem>>, %arg3: memref<32xi32, #tpu.memory_space<smem>>, %arg4: memref<256x1024xbf16, #tpu.memory_space<vmem>>, %arg5: memref<1x1024x1024xf32, #tpu.memory_space<vmem>>, %arg6: memref<256x1024xf32, #tpu.memory_space<vmem>>) attributes {dimension_semantics = [#tpu.dimension_semantics<arbitrary>, #tpu.dimension_semantics<arbitrary>], iteration_bounds = array<i64: 24, 2>, scalar_prefetch = 2 : i64, scratch_operands = 0 : i64, tpu.core_type = #tpu.core_type<tc>, window_params = [{transform_indices = @transform_0, window_bounds = array<i64: 256, 1024>}, {transform_indices = @transform_1, window_bounds = array<i64: 1, 1024, 1024>}, {transform_indices = @transform_2, window_bounds = array<i64: 256, 1024>}]} {
    %get3A = arith.index_cast %arg0 : i32 to index
    %get3A_0 = memref.load %arg3[%get3A] : memref<32xi32, #tpu.memory_space<smem>>
    %eq3A = arith.constant 1 : i32
    %eq3A_1 = arith.cmpi eq, %get3A_0, %eq3A : i32
    %convert_element_type3A = arith.extui %eq3A_1 : i1 to i32
    %cond3A = arith.constant 0 : i32
    %cond3A_2 = arith.cmpi ne, %convert_element_type3A, %cond3A : i32
    scf.if %cond3A_2 {
      %get3A_10 = arith.constant 0 : index
      %get3A_11 = arith.constant 0 : index
      %get3A_12 = vector.load %arg4[%get3A_10, %get3A_11] : memref<256x1024xbf16, #tpu.memory_space<vmem>>, vector<256x1024xbf16>
      %get3A_13 = arith.constant 0 : index
      %get3A_14 = arith.constant 0 : index
      %get3A_15 = arith.constant 0 : index
      %get3A_16 = vector.load %arg5[%get3A_13, %get3A_14, %get3A_15] : memref<1x1024x1024xf32, #tpu.memory_space<vmem>>, vector<1x1024x1024xf32>
      %get3A_17 = vector.shape_cast %get3A_16 : vector<1x1024x1024xf32> to vector<1024x1024xf32>
      %convert_element_type3A_18 = arith.truncf %get3A_17 : vector<1024x1024xf32> to vector<1024x1024xbf16>
      %dot_general3A = arith.constant dense<0.000000e+00> : vector<256x1024xf32>
      %dot_general3A_19 = tpu.matmul %get3A_12, %convert_element_type3A_18, %dot_general3A {dimension_numbers = #tpu.dot_dimension_numbers<[1], [0], [0], [1], [0, 0, 1, 1], [], []>, transpose_lhs_hint = false} : vector<256x1024xbf16>, vector<1024x1024xbf16>, vector<256x1024xf32> -> vector<256x1024xf32>
      %swap3A = arith.constant 0 : index
      %swap3A_20 = arith.constant 0 : index
      %swap3A_21 = vector.load %arg6[%swap3A, %swap3A_20] : memref<256x1024xf32, #tpu.memory_space<vmem>>, vector<256x1024xf32>
      tpu.vector_store %arg6[%swap3A, %swap3A_20], %dot_general3A_19 {strides = array<i32>} : memref<256x1024xf32, #tpu.memory_space<vmem>>, vector<256x1024xf32>,
    } else {
    }
    %get3A_3 = arith.index_cast %arg0 : i32 to index
    %get3A_4 = memref.load %arg3[%get3A_3] : memref<32xi32, #tpu.memory_space<smem>>
    %eq3A_5 = arith.constant 0 : i32
    %eq3A_6 = arith.cmpi eq, %get3A_4, %eq3A_5 : i32
    %convert_element_type3A_7 = arith.extui %eq3A_6 : i1 to i32
    %cond3A_8 = arith.constant 0 : i32
    %cond3A_9 = arith.cmpi ne, %convert_element_type3A_7, %cond3A_8 : i32
    scf.if %cond3A_9 {
      %broadcast_in_dim3A = arith.constant 0.000000e+00 : f32
      %broadcast_in_dim3A_10 = vector.broadcast %broadcast_in_dim3A : f32 to vector<256x1024xf32>
      %swap3A = arith.constant 0 : index
      %swap3A_11 = arith.constant 0 : index
      %swap3A_12 = vector.load %arg6[%swap3A, %swap3A_11] : memref<256x1024xf32, #tpu.memory_space<vmem>>, vector<256x1024xf32>
      tpu.vector_store %arg6[%swap3A, %swap3A_11], %broadcast_in_dim3A_10 {strides = array<i32>} : memref<256x1024xf32, #tpu.memory_space<vmem>>, vector<256x1024xf32>,
    } else {
    }
    return
  }
  func.func @transform_0(%arg0: i32, %arg1: i32, %arg2: memref<32xi32, #tpu.memory_space<smem>>, %arg3: memref<32xi32, #tpu.memory_space<smem>>) -> (i32, i32) {
    %c0_i32 = arith.constant 0 : i32
    %c0_i32_0 = arith.constant 0 : i32
    return %arg0, %c0_i32 : i32, i32
  }
  func.func @transform_1(%arg0: i32, %arg1: i32, %arg2: memref<32xi32, #tpu.memory_space<smem>>, %arg3: memref<32xi32, #tpu.memory_space<smem>>) -> (i32, i32, i32) {
    %get3A = arith.index_cast %arg0 : i32 to index
    %get3A_0 = memref.load %arg2[%get3A] : memref<32xi32, #tpu.memory_space<smem>>
    %c0_i32 = arith.constant 0 : i32
    %c0_i32_1 = arith.constant 0 : i32
    return %get3A_0, %c0_i32, %arg1 : i32, i32, i32
  }
  func.func @transform_2(%arg0: i32, %arg1: i32, %arg2: memref<32xi32, #tpu.memory_space<smem>>, %arg3: memref<32xi32, #tpu.memory_space<smem>>) -> (i32, i32) {
    %c0_i32 = arith.constant 0 : i32
    return %arg0, %arg1 : i32, i32
  }
}

module attributes {stable_mosaic.version = 14 : i64} {
  func.func @_combine_body(%arg0: i32, %arg1: i32, %arg2: memref<1x1x256xi32, #tpu.memory_space<vmem>>, %arg3: memref<1x1x256xf32, #tpu.memory_space<vmem>>, %arg4: memref<256x2048xf32, #tpu.memory_space<vmem>>, %arg5: memref<256x2048xf32, #tpu.memory_space<vmem>>) attributes {dimension_semantics = [#tpu.dimension_semantics<arbitrary>, #tpu.dimension_semantics<arbitrary>], iteration_bounds = array<i64: 8, 24>, scalar_prefetch = 0 : i64, scratch_operands = 0 : i64, tpu.core_type = #tpu.core_type<tc>, window_params = [{transform_indices = @transform_0, window_bounds = array<i64: 1, 1, 256>}, {transform_indices = @transform_1, window_bounds = array<i64: 1, 1, 256>}, {transform_indices = @transform_2, window_bounds = array<i64: 256, 2048>}, {transform_indices = @transform_3, window_bounds = array<i64: 256, 2048>}]} {
    %eq3A = arith.constant 0 : i32
    %eq3A_0 = arith.cmpi eq, %arg1, %eq3A : i32
    %convert_element_type3A = arith.extui %eq3A_0 : i1 to i32
    %cond3A = arith.constant 0 : i32
    %cond3A_1 = arith.cmpi ne, %convert_element_type3A, %cond3A : i32
    scf.if %cond3A_1 {
      %broadcast_in_dim3A_31 = arith.constant 0.000000e+00 : f32
      %broadcast_in_dim3A_32 = vector.broadcast %broadcast_in_dim3A_31 : f32 to vector<256x2048xf32>
      %swap3A_33 = arith.constant 0 : index
      %swap3A_34 = arith.constant 0 : index
      %swap3A_35 = vector.load %arg5[%swap3A_33, %swap3A_34] : memref<256x2048xf32, #tpu.memory_space<vmem>>, vector<256x2048xf32>
      tpu.vector_store %arg5[%swap3A_33, %swap3A_34], %broadcast_in_dim3A_32 {strides = array<i32>} : memref<256x2048xf32, #tpu.memory_space<vmem>>, vector<256x2048xf32>,
    } else {
    }
    %get3A = arith.constant 0 : index
    %get3A_2 = arith.constant 0 : index
    %get3A_3 = arith.constant 0 : index
    %get3A_4 = vector.load %arg2[%get3A, %get3A_2, %get3A_3] : memref<1x1x256xi32, #tpu.memory_space<vmem>>, vector<1x1x256xi32>
    %get3A_5 = vector.shape_cast %get3A_4 : vector<1x1x256xi32> to vector<256xi32>
    %get3A_6 = arith.constant 0 : index
    %get3A_7 = arith.constant 0 : index
    %get3A_8 = arith.constant 0 : index
    %get3A_9 = vector.load %arg3[%get3A_6, %get3A_7, %get3A_8] : memref<1x1x256xf32, #tpu.memory_space<vmem>>, vector<1x1x256xf32>
    %get3A_10 = vector.shape_cast %get3A_9 : vector<1x1x256xf32> to vector<256xf32>
    %iota3A = tpu.iota {dimensions = array<i32: 0>} : vector<256x256xi32>
    %mul3A = arith.constant 256 : i32
    %mul3A_11 = arith.muli %arg0, %mul3A : i32
    %add3A = vector.broadcast %mul3A_11 : i32 to vector<256x256xi32>
    %add3A_12 = arith.addi %iota3A, %add3A : vector<256x256xi32>
    %broadcast_in_dim3A = vector.shape_cast %get3A_5 : vector<256xi32> to vector<1x256xi32>
    %eq3A_13 = vector.broadcast %broadcast_in_dim3A : vector<1x256xi32> to vector<256x256xi32>
    %eq3A_14 = arith.cmpi eq, %eq3A_13, %add3A_12 : vector<256x256xi32>
    %broadcast_in_dim3A_15 = vector.shape_cast %get3A_10 : vector<256xf32> to vector<1x256xf32>
    %jit3A = arith.constant 0.000000e+00 : f32
    %broadcast_in_dim3A_16 = vector.shape_cast %broadcast_in_dim3A_15 : vector<1x256xf32> to vector<1x256xf32>
    %broadcast_in_dim3A_17 = vector.broadcast %broadcast_in_dim3A_16 : vector<1x256xf32> to vector<256x256xf32>
    %broadcast_in_dim3A_18 = vector.broadcast %jit3A : f32 to vector<256x256xf32>
    %select_n3A = arith.select %eq3A_14, %broadcast_in_dim3A_17, %broadcast_in_dim3A_18 : vector<256x256xi1>, vector<256x256xf32>
    %convert_element_type3A_19 = arith.truncf %select_n3A : vector<256x256xf32> to vector<256x256xbf16>
    %get3A_20 = arith.constant 0 : index
    %get3A_21 = arith.constant 0 : index
    %get3A_22 = vector.load %arg5[%get3A_20, %get3A_21] : memref<256x2048xf32, #tpu.memory_space<vmem>>, vector<256x2048xf32>
    %get3A_23 = arith.constant 0 : index
    %get3A_24 = arith.constant 0 : index
    %get3A_25 = vector.load %arg4[%get3A_23, %get3A_24] : memref<256x2048xf32, #tpu.memory_space<vmem>>, vector<256x2048xf32>
    %convert_element_type3A_26 = arith.truncf %get3A_25 : vector<256x2048xf32> to vector<256x2048xbf16>
    %dot_general3A = arith.constant dense<0.000000e+00> : vector<256x2048xf32>
    %dot_general3A_27 = tpu.matmul %convert_element_type3A_19, %convert_element_type3A_26, %dot_general3A {dimension_numbers = #tpu.dot_dimension_numbers<[1], [0], [0], [1], [0, 0, 1, 1], [], []>, transpose_lhs_hint = false} : vector<256x256xbf16>, vector<256x2048xbf16>, vector<256x2048xf32> -> vector<256x2048xf32>
    %add3A_28 = arith.addf %get3A_22, %dot_general3A_27 : vector<256x2048xf32>
    %swap3A = arith.constant 0 : index
    %swap3A_29 = arith.constant 0 : index
    %swap3A_30 = vector.load %arg5[%swap3A, %swap3A_29] : memref<256x2048xf32, #tpu.memory_space<vmem>>, vector<256x2048xf32>
    tpu.vector_store %arg5[%swap3A, %swap3A_29], %add3A_28 {strides = array<i32>} : memref<256x2048xf32, #tpu.memory_space<vmem>>, vector<256x2048xf32>,
    return
  }
  func.func @transform_0(%arg0: i32, %arg1: i32) -> (i32, i32, i32) {
    %c0_i32 = arith.constant 0 : i32
    %c0_i32_0 = arith.constant 0 : i32
    %c0_i32_1 = arith.constant 0 : i32
    return %arg1, %c0_i32, %c0_i32_0 : i32, i32, i32
  }
  func.func @transform_1(%arg0: i32, %arg1: i32) -> (i32, i32, i32) {
    %c0_i32 = arith.constant 0 : i32
    %c0_i32_0 = arith.constant 0 : i32
    %c0_i32_1 = arith.constant 0 : i32
    return %arg1, %c0_i32, %c0_i32_0 : i32, i32, i32
  }
  func.func @transform_2(%arg0: i32, %arg1: i32) -> (i32, i32) {
    %c0_i32 = arith.constant 0 : i32
    %c0_i32_0 = arith.constant 0 : i32
    return %arg1, %c0_i32 : i32, i32
  }
  func.func @transform_3(%arg0: i32, %arg1: i32) -> (i32, i32) {
    %c0_i32 = arith.constant 0 : i32
    %c0_i32_0 = arith.constant 0 : i32
    return %arg0, %c0_i32 : i32, i32
  }
}

</mosaic_0001>

<sc_bundles>
// kernel: kernel.8.cloned.1.call-start
scs
__scs_entry_jumppad:
0x0: {  	(pc) =	sbr.rel $0x88, $3  }
0x1: {  	(tag) =	ssettag $0x0;
	lr =	simm.s32 $0x1  }
0x2: {  	[smem:$0x3F9D] =	sst lr;
	_ =	strace $0xD0000000  }
0x3: {  	_ = 	snop  }
0x4: {  	_ = 	snop  }
0x5: {  	_ = 	snop  }
0x6: {  	_ = 	snop  }
0x7: {  	_ = 	snop  }
__scs_overlays_trampoline_lowered:
0x8: {  	[smem:$0x3FAC] =	sst s0  }
0x9: {  	[smem:$0x3FAD] =	sst s1  }
0xa: {  	[smem:$0x3FAE] =	sst s2  }
0xb: {  	[smem:$0x3FAF] =	sst s3  }
0xc: {  	[smem:$0x3FB0] =	sst s4  }
0xd: {  	[smem:$0x3FB1] =	sst s5  }
0xe: {  	[smem:$0x3FB2] =	sst s6  }
0xf: {  	[smem:$0x3FB3] =	sst s7  }
0x10: {  	[smem:$0x3FB4] =	sst s8  }
0x11: {  	[smem:$0x3FB5] =	sst s9;
	s0 =	simm.s32 @!p0 $0x0  }
0x12: {  	s1 =	sld [smem:$0x3F9B];
	s0 =	simm.s32 @p0 $0x1  }
0x13: {  	[smem:$0x3FB6] =	sst s0;
	s0 =	simm.s32 @!p1 $0x0  }
0x14: {  	s2 =	sld [smem:$0x3F9A];
	s0 =	simm.s32 @p1 $0x1  }
0x15: {  	[smem:$0x3FB7] =	sst s0;
	s0 =	simm.s32 @!p2 $0x0  }
0x16: {  	s3 =	sld [smem:$0x3FDB];
	s0 =	simm.s32 @p2 $0x1  }
0x17: {  	s4 =	simm.s32 $0x1BF5;
	[smem:$0x3FB9] =	sst s0  }
0x18: {  	s0 =	sld [smem:$0x3F9C];
	_ =	swait.ge [sflag:s4], $0x0  }
0x19: {  	s7 =	sld [smem:$0x3F9D]  }
0x1a: {  	s8 =	sadd.s32 $0xFFFFE003, lr  }
0x1b: {  	s9 =	sadd.s32 $0xFFFFFEF7, lr;
	s5 =	simm.s32 $0xFFFFFFFF;
	p2 =	slt.u32 s8, $0xFFFFF086  }
0x1c: {  	p1 =	slt.u32 s9, $0xF7A;
	s5 =	simm.s32 @!p2 $0x0  }
0x1d: {  	s5 =	simm.s32 @p1 $0x1;
	p0 =	seq.s32 s7, s2  }
0x1e: {  	s7 =	smul.u32 @!p0 $0xF7A, s2;
	p2 =	seq.s32 @!p0 s5, $0x0  }
0x1f: {  	s9 =	smul.u32 $0xF7A, s1;
	s8 =	simm.s32 @!p0 $0x1BF5;
	p2 =	por !p2, p0  }
0x20: {  	[sflag:s8] =	ssyncset.s32 @!p0 $0xFFFFF086;
	s6 =	sadd.s32 @!p0 s3, s7;
	s7 =	simm.s32 @!p0 $0x108  }
0x21: {  	s3 =	sadd.s32 s3, s9;
	s6 =	sadd.s32 @!p0 $0x88, s6;
	s7 =	simm.s32 @p2 $0x1082  }
0x22: {  	[simem:s7], [sflag:s8] =	dma.local @!p0 [hbm:s6], $0xF7A  }
0x23: {  	s9 =	sor.u32 $0xD0000000, s2;
	s6 =	simm.s32 $0x108;
	_ =	swait.ge @!p0 [sflag:s8], $0x0  }
0x24: {  	s3 =	sadd.s32 $0x88, s3;
	s6 =	simm.s32 @!p1 $0x1082;
	[sflag:s4] =	ssyncset.s32 $0xFFFFF086  }
0x25: {  	[simem:s6], [sflag:s4] =	dma.local [hbm:s3], $0xF7A  }
0x26: {  	[smem:$0x3F9D] =	sst s1;
	(tag) =	ssettag s2;
	_ =	strace s9  }
0x27: {  	s1 =	sld [smem:$0x3FAD]  }
0x28: {  	s2 =	sld [smem:$0x3FAE]  }
0x29: {  	s4 =	sld [smem:$0x3FB0]  }
0x2a: {  	p0 =	seq.s32 s5, $0x0;
	s5 =	sld [smem:$0x3FB1]  }
0x2b: {  	s6 =	sld [smem:$0x3FB2]  }
0x2c: {  	s7 =	sld [smem:$0x3FB3]  }
0x2d: {  	s3 =	simm.s32 $0x108;
	s8 =	sld [smem:$0x3FB4]  }
0x2e: {  	s3 =	simm.s32 @!p0 $0x1082;
	s9 =	sld [smem:$0x3FB5]  }
0x2f: {  	lr =	sadd.s32 s0, s3;
	s0 =	sld [smem:$0x3FAC]  }
0x30: {  	s3 =	sld [smem:$0x3FAF]  }
0x31: {  	[smem:$0x3FB8] =	sst s10  }
0x32: {  	s10 =	sld [smem:$0x3FB6];
	_ =	sdelay $0x3  }
0x33: {  	p0 =	seq.s32 s10, $0x1;
	s10 =	sld [smem:$0x3FB8];
	_ =	sdelay $0x3  }
0x34: {  	[smem:$0x3FB8] =	sst s10  }
0x35: {  	s10 =	sld [smem:$0x3FB7];
	_ =	sdelay $0x3  }
0x36: {  	p1 =	seq.s32 s10, $0x1;
	s10 =	sld [smem:$0x3FB8];
	_ =	sdelay $0x3  }
0x37: {  	[smem:$0x3FB8] =	sst s10  }
0x38: {  	s10 =	sld [smem:$0x3FB9]  }
0x39: {  	_ = 	snop;
	(pc) =	sbr.ind lr, $3  }
0x3a: {  	_ = 	snop  }
0x3b: {  	_ = 	snop  }
0x3c: {  	p2 =	seq.s32 s10, $0x1;
	s10 =	sld [smem:$0x3FB8]  }
0x3d: {  	_ =	shalt  }
0x3e: {  	_ =	shalt  }
0x3f: {  	_ =	shalt  }
0x40: {  	_ =	shalt  }
0x41: {  	_ =	shalt  }
0x42: {  	_ =	shalt  }
0x43: {  	_ =	shalt  }
0x44: {  	_ =	shalt  }
0x45: {  	_ =	shalt  }
0x46: {  	_ =	shalt  }
0x47: {  	_ =	shalt  }
0x48: {  	_ =	shalt  }
0x49: {  	_ =	shalt  }
0x4a: {  	_ =	shalt  }
0x4b: {  	_ =	shalt  }
0x4c: {  	_ =	shalt  }
0x4d: {  	_ =	shalt  }
0x4e: {  	_ =	shalt  }
0x4f: {  	_ =	shalt  }
0x50: {  	_ =	shalt  }
0x51: {  	_ =	shalt  }
0x52: {  	_ =	shalt  }
0x53: {  	_ =	shalt  }
0x54: {  	_ =	shalt  }
0x55: {  	_ =	shalt  }
0x56: {  	_ =	shalt  }
0x57: {  	_ =	shalt  }
0x58: {  	_ =	shalt  }
0x59: {  	_ =	shalt  }
0x5a: {  	_ =	shalt  }
0x5b: {  	_ =	shalt  }
0x5c: {  	_ =	shalt  }
0x5d: {  	_ =	shalt  }
0x5e: {  	_ =	shalt  }
0x5f: {  	_ =	shalt  }
0x60: {  	_ =	shalt  }
0x61: {  	_ =	shalt  }
0x62: {  	_ =	shalt  }
0x63: {  	_ =	shalt  }
0x64: {  	_ =	shalt  }
0x65: {  	_ =	shalt  }
0x66: {  	_ =	shalt  }
0x67: {  	_ =	shalt  }
0x68: {  	_ =	shalt  }
0x69: {  	_ =	shalt  }
0x6a: {  	_ =	shalt  }
0x6b: {  	_ =	shalt  }
0x6c: {  	_ =	shalt  }
0x6d: {  	_ =	shalt  }
0x6e: {  	_ =	shalt  }
0x6f: {  	_ =	shalt  }
0x70: {  	_ =	shalt  }
0x71: {  	_ =	shalt  }
0x72: {  	_ =	shalt  }
0x73: {  	_ =	shalt  }
0x74: {  	_ =	shalt  }
0x75: {  	_ =	shalt  }
0x76: {  	_ =	shalt  }
0x77: {  	_ =	shalt  }
0x78: {  	_ =	shalt  }
0x79: {  	_ =	shalt  }
0x7a: {  	_ =	shalt  }
0x7b: {  	_ =	shalt  }
0x7c: {  	_ =	shalt  }
0x7d: {  	_ =	shalt  }
0x7e: {  	_ =	shalt  }
0x7f: {  	_ =	shalt  }
0x80: {  	_ =	shalt  }
0x81: {  	_ =	shalt  }
0x82: {  	_ =	shalt  }
0x83: {  	_ =	shalt  }
0x84: {  	_ =	shalt  }
0x85: {  	_ =	shalt  }
0x86: {  	_ =	shalt  }
0x87: {  	_ =	shalt  }
.Lfunc_end0:
.L_simem_size_0:
called_computation_lowered:
.L_overlay_start_0:
0x88: {  	s2 =	sld [smem:$0x3FD9]  }
0x89: {  	s3 =	sld [smem:$0x3FFE];
	_ =	sdelay $0x1  }
0x8a: {  	s1 =	srdreg.scid  }
0x8b: {  	s0 =	sand.u32 $0x1, s1  }
0x8c: {  	s17 =	sshll.u32 s0, $0xA;
	s2 =	sadd.s32 s3, s2  }
0x8d: {  	s2 =	sadd.s32 s2, s17  }
0x8e: {  	[smem:$0x3FC4] =	sst s2  }
0x8f: {  	_ = 	snop  }
0x90: {  	s2 =	sld [smem:$0x3FD0];
	(tm) =	ssettm $0x1  }
0x91: {  	s18 =	sld [smem:$0x3FFB];
	_ =	sdelay $0x3  }
0x92: {  	_ =	strace s18  }
0x93: {  	s3 =	sld [smem:$0x3FFC];
	_ =	sdelay $0x3  }
0x94: {  	_ =	strace s3  }
0x95: {  	s3 =	sld [smem:$0x3FFD];
	_ =	sdelay $0x3  }
0x96: {  	_ =	strace s3  }
0x97: {  	_ =	strace $0x8FFFFFFF  }
0x98: {  	s19 =	sld [smem:$0x3FDB];
	_ =	sdelay $0x1  }
0x99: {  	s4 =	simm.s32 $_scs_section_size  }
0x9a: {  	s5 =	simm.s32 $_size__tile_overlayer_lowered;
	s6 =	simm.s32 $_tile_overlayer_lowered  }
0x9b: {  	s22 =	simm.s32 $0x1BFF;
	s21 =	sshll.u32 s6, $0x1;
	s3 =	sadd.s32 s4, s19  }
0x9c: {  	s7 =	simm.s32 $0x0;
	s20 =	sshll.u32 s5, $0x1;
	s5 =	sadd.s32 s21, s3  }
0x9d: {  	[timem:s7], [sflag:s22] =	dma.local [hbm:s5], s20  }
0x9e: {  	_ =	swait.ge [sflag:s22], s20  }
0x9f: {  	s4 =	ssub.s32 $0x0, s20;
	[sflag:s22] =	ssyncset.done $0x0  }
0xa0: {  	[sflag:s22] =	ssyncadd.s32 s4;
	_ =	sdelay $0x1  }
0xa1: {  	s23 =	simm.s32 $0x1B8B  }
0xa2: {  	_ =	swait.ge [sflag:s23], $0x1  }
0xa3: {  	[sflag:s23] =	ssyncset.done $0x0  }
0xa4: {  	s25 =	simm.s32 $0x1B8E;
	s24 =	sld [smem:$0x3FFE];
	[sflag:s23] =	ssyncadd.s32 $0xFFFFFFFF  }
0xa5: {  	s26 =	simm.s32 $execute0_lowered;
	[smem:$0x3FD2] =	sst s25  }
0xa6: {  	s5 =	sshll.u32 s26, $0x1;
	_ =	strace $0x80000046;
	[dreg:$0x1] =	wrdreg $0xFFFFFFFF  }
0xa7: {  	s28 =	simm.s32 $_size_execute0_lowered;
	s3 =	sadd.s32 s3, s5;
	[dreg:$0x0] =	wrdreg $0x0  }
0xa8: {  	s5 =	sshll.u32 s28, $0x1;
	[dreg:$0x2] =	wrdreg s3  }
0xa9: {  	[dreg:$0x3] =	wrdreg s5  }
0xaa: {  	[dreg:$0x4] =	wrdreg $0xC0  }
0xab: {  	_ =	task [dreg:s7], $0x5FFFF  }
0xac: {  	[dreg:$0x1] =	wrdreg $0xFFFFFFFF  }
0xad: {  	[dreg:$0x0] =	wrdreg $0x60  }
0xae: {  	[dreg:$0x2] =	wrdreg s2  }
0xaf: {  	[dreg:$0x3] =	wrdreg s24  }
0xb0: {  	[dreg:$0x4] =	wrdreg $0x9  }
0xb1: {  	_ =	task.clear_ibuf [dreg:s7], $0x5FFFF;
	_ =	strace $0x90000046  }
0xb2: {  	s29 =	simm.s32 $0x9;
	_ =	strace $0x80000048  }
0xb3: {  	_ =	swait.ge [sflag:s29], $0x1  }
0xb4: {  	[sflag:s29] =	ssyncadd.s32 $0xFFFFFFFF  }
0xb5: {  	_ =	strace $0x90000048  }
0xb6: {  	_ =	sfence  }
0xb7: {  	s30 =	sld [smem:$0x0];
	_ =	sdelay $0x2  }
0xb8: {  	s31 =	sshll.u32 s1, $0xD;
	s1 =	sshrl.u32 s1, $0x2  }
0xb9: {  	s3 =	sand.u32 $0x4000, s31;
	s1 =	sadd.s32 s1, s30  }
0xba: {  	s0 =	sor.u32 s3, s0;
	s1 =	sshll.u32 s1, $0x11  }
0xbb: {  	s0 =	sor.u32 s1, s0  }
0xbc: {  	s0 =	sadd.s32 $0x8F2B, s0  }
0xbd: {  	[sflag:s0] =	ssyncadd.remote.s32 $0x1  }
0xbe: {  	_ =	sfence.sel $0xFFFF  }
0xbf: {  	[dreg:$0x0] =	wrdreg $0xFFFFFFFF;
	(pc) =	sbr.abs _section_cstart, $3  }
0xc0: {  	[dreg:$0x1] =	wrdreg $0xFFFFFFFF  }
0xc1: {  	_ =	task.clear_ibuf [dreg:s7], $0x2FFFF;
	_ =	strace $0x9FFFFFFF  }
0xc2: {  	(tm) =	ssettm $0x7FFFFFFF  }
0xc3: {  	_ =	shalt  }
tec
execute0_lowered:
.L_overlay_start_1:
0x0: {  	(tag) =	ssettag $0x1  }
0x1: {  	s2 =	srdreg.scid  }
0x2: {  	s4 =	sand.u32 $0x1, s2;
	s2 =	stileid.u32  }
0x3: {  	s5 =	sshll.u32 s4, $0x4;
	s7 =	ssub.s32 $0x0, s2  }
0x4: {  	p0 =	sne.s32 s5, s7  }
.Ltmp0:
0x5: {  	_ = 	snop;
	(pc) =	sbr.rel @p0 .LBB2_9-.Ltmp0, $4  }
0x6: {  	s1 =	rddreg [dreg:$0x0]  }
0x7: {  	s6 =	rddreg [dreg:$0x1];
	s3 =	simm.s32 $0x0  }
0x8: {  	[smem:$0x7FF] =	sst s3  }
0x9: {  	s0 =	rddreg [dreg:$0x2];
	_ =	strace $0x80000047  }
0xa: {  	s5 =	ssub.s32 $0x2, s4  }
0xb: {  	s4 =	sadd.s32 $0x1600, s6;
	s8 =	simm.s32 $0x1;
	s7 =	sshrl.u32 s5, $0x1  }
0xc: {  	v2 =	vlaneseq.u32;
	s9 =	simm.s32 $0x1000;
	s10 =	simm.s32 $0x0;
	s7 =	ssub.s32 s5, s7  }
0xd: {  	v0 =	vimm.s32 $0x100000;
	v1 =	vimm.f32 $0.0e+00;
	v2 =	vshrl.u32 v2, $0x1;
	s5 =	sadd.s32 $0x1800, s6;
	s6 =	sadd.s32 $0x1C00, s6;
	s7 =	smax.u32 s7, $0x1  }
.LBB2_2:
0xe: {  	s11 =	simm.s32 $0x0  }
0xf: {  	[tilespmem:s11], [sflag:$0x1] =	stream.linear.gather [hbm4b:s1+s11], $0x1000, $0x38;
	[tilespmem:$0x5000] =	vst v63  }
0x10: {  	_ =	swait.ge [sflag:s8], $0x1000  }
0x11: {  	[sflag:s8] =	ssyncset.done $0x0  }
0x12: {  	[sflag:s8] =	ssyncadd.s32 $0xFFFFF000  }
0x13: {  	[tilespmem:s9], [sflag:$0x1] =	stream.linear.gather [hbm4b:s4+s11], $0x1000, $0x38;
	[tilespmem:$0x5000] =	vst v63  }
0x14: {  	_ =	swait.ge [sflag:s8], $0x1000  }
0x15: {  	[sflag:s8] =	ssyncset.done $0x0  }
0x16: {  	s12 =	simm.s32 $0x0;
	[sflag:s8] =	ssyncadd.s32 $0xFFFFF000  }
.LBB2_3:
0x17: {  	p0 =	sne.s32 s12, $0x5FC0  }
.Ltmp1:
0x18: {  	_ = 	snop;
	(pc) =	sbr.rel @p0 .LBB2_3-.Ltmp1, $4  }
0x19: {  	_ = 	snop  }
0x1a: {  	s13 =	sshra.s32 s12, $0x2  }
0x1b: {  	[tilespmem:s13+$0x2000] =	vst v0  }
0x1c: {  	s12 =	sadd.s32 $0x40, s12;
	[tilespmem:s13+$0x3800] =	vst v1  }
0x1d: {  	s12 =	simm.s32 $0x1000;
	s14 =	simm.s32 $0x0  }
.LBB2_5:
0x1e: {  	v3 =	vld [tilespmem:s11+$0x0];
	_ =	sdelay $0x3  }
0x1f: {  	v4 =	vld [tilespmem:s12+$0x0];
	p0 =	sne.s32 s14, $0x7F8  }
.Ltmp2:
0x20: {  	_ = 	snop;
	(pc) =	sbr.rel @p0 .LBB2_5-.Ltmp2, $4  }
0x21: {  	_ = 	snop  }
0x22: {  	v5 =	vor.u32 s14, v2;
	s15 =	simm.s32 $0x2000  }
0x23: {  	s13 =	simm.s32 $0x3800;
	[tilespmem:v3+s15+$0x0] =	vst.idx.msk $0xffff, v5  }
0x24: {  	s11 =	sadd.s32 $0x10, s11;
	s12 =	sadd.s32 $0x10, s12;
	s14 =	sadd.s32 $0x8, s14;
	[tilespmem:v3+s13+$0x0] =	vst.idx.msk $0xffff, v4  }
0x25: {  	s11 =	sadd.s32 $0x0, s5  }
0x26: {  	[hbm4b:s11+s3] =	stream.linear.scatter [tilespmem:s15], [sflag:$0x1], $0x100, $0x38;
	[tilespmem:$0x5000] =	vst v63  }
0x27: {  	_ =	swait.ge [sflag:s8], $0x100  }
0x28: {  	[sflag:s8] =	ssyncset.done $0x0  }
0x29: {  	s31 =	sadd.s32 $0x0, s6;
	[sflag:s8] =	ssyncadd.s32 $0xFFFFFF00  }
0x2a: {  	[hbm4b:s31+s3] =	stream.linear.scatter [tilespmem:s13], [sflag:$0x1], $0x100, $0x38;
	[tilespmem:$0x5000] =	vst v63  }
0x2b: {  	s14 =	simm.s32 $0x40;
	s12 =	simm.s32 $0x3900;
	_ =	swait.ge [sflag:s8], $0x100  }
0x2c: {  	s11 =	simm.s32 $0x20;
	s13 =	simm.s32 $0x2100;
	[sflag:s8] =	ssyncset.done $0x0  }
.LBB2_7:
0x2d: {  	s15 =	sadd.s32 s11, s5  }
0x2e: {  	[sflag:s8] =	ssyncadd.s32 $0xFFFFFF00;
	s16 =	smov.u32 s14;
	s17 =	sadd.s32 $0x20, s14  }
0x2f: {  	[hbm4b:s15+s3] =	stream.linear.scatter [tilespmem:s13], [sflag:$0x1], $0x100, $0x38;
	[tilespmem:$0x5000] =	vst v63  }
0x30: {  	p0 =	sne.s32 s14, $0x2E0;
	_ =	swait.ge [sflag:s8], $0x100  }
.Ltmp3:
0x31: {  	[sflag:s8] =	ssyncset.done $0x0;
	(pc) =	sbr.rel @p0 .LBB2_7-.Ltmp3, $4  }
0x32: {  	s14 =	sadd.s32 s11, s6;
	s11 =	smov.u32 s16;
	[sflag:s8] =	ssyncadd.s32 $0xFFFFFF00  }
0x33: {  	[hbm4b:s14+s3] =	stream.linear.scatter [tilespmem:s12], [sflag:$0x1], $0x100, $0x38;
	[tilespmem:$0x5000] =	vst v63  }
0x34: {  	s13 =	sadd.s32 $0x100, s13;
	_ =	swait.ge [sflag:s8], $0x100  }
0x35: {  	s12 =	sadd.s32 $0x100, s12;
	s14 =	smov.u32 s17;
	[sflag:s8] =	ssyncset.done $0x0  }
0x36: {  	s14 =	sadd.s32 s11, s5;
	[sflag:s8] =	ssyncadd.s32 $0xFFFFFF00  }
0x37: {  	[hbm4b:s14+s3] =	stream.linear.scatter [tilespmem:s13], [sflag:$0x1], $0x100, $0x38;
	[tilespmem:$0x5000] =	vst v63  }
0x38: {  	s10 =	sadd.s32 $0x1, s10;
	_ =	swait.ge [sflag:s8], $0x100  }
0x39: {  	p0 =	sne.s32 s10, s7;
	[sflag:s8] =	ssyncset.done $0x0  }
.Ltmp4:
0x3a: {  	s31 =	sadd.s32 s11, s6;
	[sflag:s8] =	ssyncadd.s32 $0xFFFFFF00;
	(pc) =	sbr.rel @p0 .LBB2_2-.Ltmp4, $4  }
0x3b: {  	[hbm4b:s31+s3] =	stream.linear.scatter [tilespmem:s12], [sflag:$0x1], $0x100, $0x38;
	[tilespmem:$0x5000] =	vst v63  }
0x3c: {  	_ =	swait.ge [sflag:s8], $0x100  }
0x3d: {  	[sflag:s8] =	ssyncset.done $0x0  }
0x3e: {  	[sflag:s8] =	ssyncadd.s32 $0xFFFFFF00  }
.LBB2_9:
0x3f: {  	_ =	sfence.sel $0x180000  }
0x40: {  	[bflag:$0x0] =	sbarrier.arrive $0xFFFF  }
0x41: {  	p0 =	sne.s32 s2, $0x0;
	_ =	strace $0x90000047  }
0x42: {  	s0 =	sadd.s32 @!p0 $0x100000, s0;
	[bflag:$0x2] =	sbarrier.arrive $0xFFFF  }
0x43: {  	[sflag:s0] =	ssyncadd.tile.s32 @!p0 $0x1;
	_ =	shalt  }
.Lfunc_end2:
_tile_overlayer_lowered:
.L_overlay_start_2:
0x44: {  	(tag) =	ssettag $0x2  }
0x45: {  	s0 =	rddreg [dreg:$0x0];
	s2 =	stileid.u32  }
0x46: {  	s1 =	rddreg [dreg:$0x1];
	p0 =	sne.s32 s2, $0x0  }
0x47: {  	s3 =	rddreg [dreg:$0x2];
	[bflag:$0x3] =	sbarrier.arrive $0xFFFF;
	s2 =	simm.s32 @!p0 $0x1C01  }
0x48: {  	[timem:s3], [sflag:s2] =	dma.local @!p0 [hbm:s0], s1  }
0x49: {  	s0 =	simm.s32 @!p0 $0x1  }
0x4a: {  	_ =	swait.ge @!p0 [sflag:s0], s1  }
0x4b: {  	s1 =	ssub.s32 @!p0 $0x0, s1;
	[sflag:s0] =	ssyncset.done @!p0 $0x0  }
0x4c: {  	[sflag:s0] =	ssyncadd.s32 @!p0 s1  }
0x4d: {  	[bflag:$0x3] =	sbarrier.arrive $0xFFFF  }
0x4e: {  	_ =	shalt  }

</sc_bundles>
